<compile_context>
chip_gen: v7x
topology: tpu7x:2x2x1
jax: 0.10.2.dev20260603
libtpu: 0.0.44.dev20260713+nightly
codegen_flags: <defaults>
</compile_context>

<pallas_src>
import functools

import jax
import jax.numpy as jnp
from jax import lax
from jax.experimental import pallas as pl
from jax.experimental.pallas import tpu as pltpu
from jax.experimental.pallas import tpu_sc as plsc

_B = 16384
_D = 64
_NC, _NS, _L = 2, 16, 16
_NW = _NC * _NS
_FPW = _D // _NW
_V = 100000
_XCHUNK = 4096
_NXCHUNK = _B // _XCHUNK

_mesh = plsc.VectorSubcoreMesh(core_axis_name="c", subcore_axis_name="s")


@functools.partial(
    pl.kernel,
    out_type=jax.ShapeDtypeStruct((_NW, _L), jnp.float32),
    mesh=_mesh,
    scratch_types=[
        pltpu.VMEM((_B,), jnp.int32),
        pltpu.VMEM((1, _V), jnp.float32),
        pltpu.VMEM((2, _XCHUNK), jnp.float32),
        pltpu.VMEM((_L,), jnp.float32),
        pltpu.SemaphoreType.DMA,
        pltpu.SemaphoreType.DMA,
    ],
    compiler_params=pltpu.CompilerParams(skip_device_barrier=True,
                                         needs_layout_passes=False),
)
def _sc_partial(xt_hbm, idx_hbm, tabt_hbm, out_hbm,
                idx_v, crow_v, x_v, acc_v, csem, xsem):
    wid = lax.axis_index("c") * _NS + lax.axis_index("s")
    f0 = wid * _FPW

    row_copy = pltpu.async_copy(tabt_hbm.at[f0], crow_v.at[0], csem)
    pltpu.sync_copy(idx_hbm, idx_v)
    crow_flat = crow_v.at[0]
    _UNROLL = 8

    acc = jnp.zeros((_L,), jnp.float32)
    for fi in range(_FPW):
        x_copies = [pltpu.async_copy(
            xt_hbm.at[f0 + fi, pl.ds(0, _XCHUNK)], x_v.at[0], xsem)]
        row_copy.wait()
        for cx in range(_NXCHUNK):
            if cx + 1 < _NXCHUNK:
                x_copies.append(pltpu.async_copy(
                    xt_hbm.at[f0 + fi, pl.ds((cx + 1) * _XCHUNK, _XCHUNK)],
                    x_v.at[(cx + 1) % 2], xsem))
            x_copies[cx].wait()
            xbuf = cx % 2

            def group(g, acc, cx=cx, xbuf=xbuf):
                o = g * _L
                idxv = idx_v[pl.ds(cx * _XCHUNK + o, _L)]
                cv = plsc.load_gather(crow_flat, [idxv])
                xv = x_v[xbuf, pl.ds(o, _L)]
                d = xv - cv
                return acc + d * d

            acc = plsc.parallel_loop(0, _XCHUNK // _L, step=1,
                                     unroll=_UNROLL, carry=acc)(group)
        if fi + 1 < _FPW:
            row_copy = pltpu.async_copy(tabt_hbm.at[f0 + fi + 1],
                                        crow_v.at[0], csem)

    acc_v[...] = acc
    pltpu.sync_copy(acc_v, out_hbm.at[wid])


def kernel(latent_X, cluster_id, clusters):
    idx = cluster_id.astype(jnp.int32)
    partials = _sc_partial(latent_X.T, idx, clusters.T)
    return 0.5 * jnp.sum(partials)

# --- scband reference (transcript-rebuilt; emitter-appended) ---
"""Pipeline reference for scband-cluster-loss-73675868995717 (READ-ONLY COPY).

The authoritative reference and input builder live on the scoring server;
editing this copy changes nothing except your own understanding.
"""

import jax, jax.numpy as jnp
import numpy as np

BETA = 1.0

def setup_inputs(seed: int = 0) -> dict:
    key = jax.random.key(seed)
    k1, k2, k3 = jax.random.split(key, 3)
    latent_X = jax.random.normal(k1, (16384, 64), dtype=jnp.float32)
    cluster_id = jax.random.randint(k2, (16384,), 0, 100000, dtype=jnp.int64)
    clusters = jax.random.normal(k3, (100000, 64), dtype=jnp.float32)
    return {"latent_X": latent_X, "cluster_id": cluster_id, "clusters": clusters}

def reference(latent_X, cluster_id, clusters):
    # gather assigned cluster centers (embedding-style lookup)
    gathered = jnp.take(clusters, cluster_id, axis=0)  # [B, d]
    diff = latent_X - gathered                          # [B, d]
    # per-sample squared L2 distance, summed over the batch
    dist_loss = 0.5 * BETA * jnp.sum(diff * diff)
    return dist_loss

if __name__ == "__main__":
    import jax
    _d = setup_inputs()
    print(jax.jit(kernel)(*tuple(_d.values())))

</pallas_src>

<mosaic_0001>
#map = affine_map<(d0, d1) -> (0, 0)>
#map1 = affine_map<(d0, d1) -> (0)>
module attributes {stable_mosaic.version = 14 : i64} {
  func.func @_sc_partial(%arg0: i32, %arg1: i32, %arg2: memref<64x16384xf32, #tpu.memory_space<hbm>>, %arg3: memref<16384xi32, #tpu.memory_space<hbm>>, %arg4: memref<64x100000xf32, #tpu.memory_space<hbm>>, %arg5: memref<32x16xf32, #tpu.memory_space<hbm>>, %arg6: memref<16384xi32, #tpu.memory_space<vmem>>, %arg7: memref<1x100000xf32, #tpu.memory_space<vmem>>, %arg8: memref<2x4096xf32, #tpu.memory_space<vmem>>, %arg9: memref<16xf32, #tpu.memory_space<vmem>>, %arg10: memref<!tpu.dma_semaphore, #tpu.memory_space<semaphore_mem>>, %arg11: memref<!tpu.dma_semaphore, #tpu.memory_space<semaphore_mem>>) attributes {dimension_semantics = [#tpu.dimension_semantics<core_parallel>, #tpu.dimension_semantics<subcore_parallel>], iteration_bounds = array<i64: 2, 16>, scalar_prefetch = 0 : i64, scratch_operands = 6 : i64, tpu.core_type = #tpu.core_type<sc_vector_subcore>, window_params = [{transform_indices = #map}, {transform_indices = #map1}, {transform_indices = #map}, {transform_indices = #map}]} {
    %mul3A = arith.constant 16 : i32
    %mul3A_0 = arith.muli %arg0, %mul3A : i32
    %add3A = arith.addi %mul3A_0, %arg1 : i32
    %mul3A_1 = arith.constant 2 : i32
    %mul3A_2 = arith.muli %add3A, %mul3A_1 : i32
    %dma_start3A = arith.constant 0 : i32
    %dma_start3A_3 = arith.constant 0 : i32
    %dma_start3A_4 = tpu.memref_slice %arg7[%dma_start3A, %dma_start3A_3] : memref<1x100000xf32, #tpu.memory_space<vmem>> -> memref<1x100000xf32, #tpu.memory_space<vmem>>
    %dma_start3A_5 = tpu.memref_squeeze %dma_start3A_4 : memref<1x100000xf32, #tpu.memory_space<vmem>> -> memref<100000xf32, #tpu.memory_space<vmem>>
    %dma_start3A_6 = arith.constant 0 : i32
    %dma_start3A_7 = tpu.memref_slice %arg4[%mul3A_2, %dma_start3A_6] : memref<64x100000xf32, #tpu.memory_space<hbm>> -> memref<1x100000xf32, #tpu.memory_space<hbm>>
    %dma_start3A_8 = tpu.memref_squeeze %dma_start3A_7 : memref<1x100000xf32, #tpu.memory_space<hbm>> -> memref<100000xf32, #tpu.memory_space<hbm>>
    %dma_start3A_9 = arith.constant 0 : i32
    %dma_start3A_10 = tpu.memref_slice %arg7[%dma_start3A, %dma_start3A_9] : memref<1x100000xf32, #tpu.memory_space<vmem>> -> memref<1x100000xf32, #tpu.memory_space<vmem>>
    %dma_start3A_11 = tpu.memref_squeeze %dma_start3A_10 : memref<1x100000xf32, #tpu.memory_space<vmem>> -> memref<100000xf32, #tpu.memory_space<vmem>>
    %dma_start3A_12 = arith.constant 0 : i32
    %dma_start3A_13 = tpu.memref_slice %arg4[%mul3A_2, %dma_start3A_12] : memref<64x100000xf32, #tpu.memory_space<hbm>> -> memref<1x100000xf32, #tpu.memory_space<hbm>>
    %dma_start3A_14 = tpu.memref_squeeze %dma_start3A_13 : memref<1x100000xf32, #tpu.memory_space<hbm>> -> memref<100000xf32, #tpu.memory_space<hbm>>
    tpu.enqueue_dma source(%dma_start3A_14 : memref<100000xf32, #tpu.memory_space<hbm>>) target(%dma_start3A_11 : memref<100000xf32, #tpu.memory_space<vmem>>) target_semaphore(%arg10 : memref<!tpu.dma_semaphore, #tpu.memory_space<semaphore_mem>>)
    "tpu.region"() ({
      %run_scoped3A = tpu.sem_alloc : memref<!tpu.dma_semaphore, #tpu.memory_space<semaphore_mem>>
      tpu.enqueue_dma source(%arg3 : memref<16384xi32, #tpu.memory_space<hbm>>) target(%arg6 : memref<16384xi32, #tpu.memory_space<vmem>>) target_semaphore(%run_scoped3A : memref<!tpu.dma_semaphore, #tpu.memory_space<semaphore_mem>>)
      tpu.wait_dma2 semaphore(%run_scoped3A : memref<!tpu.dma_semaphore, #tpu.memory_space<semaphore_mem>>) src(%arg3 : memref<16384xi32, #tpu.memory_space<hbm>>) dst(%arg6 : memref<16384xi32, #tpu.memory_space<vmem>>)
      tpu.yield
    }) : () -> ()
    %broadcast_in_dim3A = arith.constant 0.000000e+00 : f32
    %broadcast_in_dim3A_15 = vector.broadcast %broadcast_in_dim3A : f32 to vector<16xf32>
    %add3A_16 = arith.constant 0 : i32
    %add3A_17 = arith.addi %mul3A_2, %add3A_16 : i32
    %dma_start3A_18 = arith.constant 0 : i32
    %dma_start3A_19 = arith.constant 0 : i32
    %dma_start3A_20 = tpu.memref_slice %arg8[%dma_start3A_18, %dma_start3A_19] : memref<2x4096xf32, #tpu.memory_space<vmem>> -> memref<1x4096xf32, #tpu.memory_space<vmem>>
    %dma_start3A_21 = tpu.memref_squeeze %dma_start3A_20 : memref<1x4096xf32, #tpu.memory_space<vmem>> -> memref<4096xf32, #tpu.memory_space<vmem>>
    %dma_start3A_22 = arith.constant 0 : i32
    %dma_start3A_23 = tpu.memref_slice %arg2[%add3A_17, %dma_start3A_22] : memref<64x16384xf32, #tpu.memory_space<hbm>> -> memref<1x4096xf32, #tpu.memory_space<hbm>>
    %dma_start3A_24 = tpu.memref_squeeze %dma_start3A_23 : memref<1x4096xf32, #tpu.memory_space<hbm>> -> memref<4096xf32, #tpu.memory_space<hbm>>
    %dma_start3A_25 = arith.constant 0 : i32
    %dma_start3A_26 = tpu.memref_slice %arg8[%dma_start3A_18, %dma_start3A_25] : memref<2x4096xf32, #tpu.memory_space<vmem>> -> memref<1x4096xf32, #tpu.memory_space<vmem>>
    %dma_start3A_27 = tpu.memref_squeeze %dma_start3A_26 : memref<1x4096xf32, #tpu.memory_space<vmem>> -> memref<4096xf32, #tpu.memory_space<vmem>>
    %dma_start3A_28 = arith.constant 0 : i32
    %dma_start3A_29 = tpu.memref_slice %arg2[%add3A_17, %dma_start3A_28] : memref<64x16384xf32, #tpu.memory_space<hbm>> -> memref<1x4096xf32, #tpu.memory_space<hbm>>
    %dma_start3A_30 = tpu.memref_squeeze %dma_start3A_29 : memref<1x4096xf32, #tpu.memory_space<hbm>> -> memref<4096xf32, #tpu.memory_space<hbm>>
    tpu.enqueue_dma source(%dma_start3A_30 : memref<4096xf32, #tpu.memory_space<hbm>>) target(%dma_start3A_27 : memref<4096xf32, #tpu.memory_space<vmem>>) target_semaphore(%arg11 : memref<!tpu.dma_semaphore, #tpu.memory_space<semaphore_mem>>)
    %dma_wait3A = arith.constant 0 : i32
    %dma_wait3A_31 = arith.constant 0 : i32
    %dma_wait3A_32 = tpu.memref_slice %arg7[%dma_wait3A, %dma_wait3A_31] : memref<1x100000xf32, #tpu.memory_space<vmem>> -> memref<1x100000xf32, #tpu.memory_space<vmem>>
    %dma_wait3A_33 = tpu.memref_squeeze %dma_wait3A_32 : memref<1x100000xf32, #tpu.memory_space<vmem>> -> memref<100000xf32, #tpu.memory_space<vmem>>
    %dma_wait3A_34 = arith.constant 0 : i32
    %dma_wait3A_35 = tpu.memref_slice %arg4[%mul3A_2, %dma_wait3A_34] : memref<64x100000xf32, #tpu.memory_space<hbm>> -> memref<1x100000xf32, #tpu.memory_space<hbm>>
    %dma_wait3A_36 = tpu.memref_squeeze %dma_wait3A_35 : memref<1x100000xf32, #tpu.memory_space<hbm>> -> memref<100000xf32, #tpu.memory_space<hbm>>
    %dma_wait3A_37 = arith.constant 0 : i32
    %dma_wait3A_38 = tpu.memref_slice %arg7[%dma_wait3A, %dma_wait3A_37] : memref<1x100000xf32, #tpu.memory_space<vmem>> -> memref<1x100000xf32, #tpu.memory_space<vmem>>
    %dma_wait3A_39 = tpu.memref_squeeze %dma_wait3A_38 : memref<1x100000xf32, #tpu.memory_space<vmem>> -> memref<100000xf32, #tpu.memory_space<vmem>>
    %dma_wait3A_40 = arith.constant 0 : i32
    %dma_wait3A_41 = tpu.memref_slice %arg4[%mul3A_2, %dma_wait3A_40] : memref<64x100000xf32, #tpu.memory_space<hbm>> -> memref<1x100000xf32, #tpu.memory_space<hbm>>
    %dma_wait3A_42 = tpu.memref_squeeze %dma_wait3A_41 : memref<1x100000xf32, #tpu.memory_space<hbm>> -> memref<100000xf32, #tpu.memory_space<hbm>>
    tpu.wait_dma2 semaphore(%arg10 : memref<!tpu.dma_semaphore, #tpu.memory_space<semaphore_mem>>) src(%dma_wait3A_42 : memref<100000xf32, #tpu.memory_space<hbm>>) dst(%dma_wait3A_39 : memref<100000xf32, #tpu.memory_space<vmem>>)
    %add3A_43 = arith.constant 0 : i32
    %add3A_44 = arith.addi %mul3A_2, %add3A_43 : i32
    %dma_start3A_45 = arith.constant 1 : i32
    %dma_start3A_46 = arith.constant 0 : i32
    %dma_start3A_47 = tpu.memref_slice %arg8[%dma_start3A_45, %dma_start3A_46] : memref<2x4096xf32, #tpu.memory_space<vmem>> -> memref<1x4096xf32, #tpu.memory_space<vmem>>
    %dma_start3A_48 = tpu.memref_squeeze %dma_start3A_47 : memref<1x4096xf32, #tpu.memory_space<vmem>> -> memref<4096xf32, #tpu.memory_space<vmem>>
    %dma_start3A_49 = arith.constant 4096 : i32
    %dma_start3A_50 = tpu.memref_slice %arg2[%add3A_44, %dma_start3A_49] : memref<64x16384xf32, #tpu.memory_space<hbm>> -> memref<1x4096xf32, #tpu.memory_space<hbm>>
    %dma_start3A_51 = tpu.memref_squeeze %dma_start3A_50 : memref<1x4096xf32, #tpu.memory_space<hbm>> -> memref<4096xf32, #tpu.memory_space<hbm>>
    %dma_start3A_52 = arith.constant 0 : i32
    %dma_start3A_53 = tpu.memref_slice %arg8[%dma_start3A_45, %dma_start3A_52] : memref<2x4096xf32, #tpu.memory_space<vmem>> -> memref<1x4096xf32, #tpu.memory_space<vmem>>
    %dma_start3A_54 = tpu.memref_squeeze %dma_start3A_53 : memref<1x4096xf32, #tpu.memory_space<vmem>> -> memref<4096xf32, #tpu.memory_space<vmem>>
    %dma_start3A_55 = arith.constant 4096 : i32
    %dma_start3A_56 = tpu.memref_slice %arg2[%add3A_44, %dma_start3A_55] : memref<64x16384xf32, #tpu.memory_space<hbm>> -> memref<1x4096xf32, #tpu.memory_space<hbm>>
    %dma_start3A_57 = tpu.memref_squeeze %dma_start3A_56 : memref<1x4096xf32, #tpu.memory_space<hbm>> -> memref<4096xf32, #tpu.memory_space<hbm>>
    tpu.enqueue_dma source(%dma_start3A_57 : memref<4096xf32, #tpu.memory_space<hbm>>) target(%dma_start3A_54 : memref<4096xf32, #tpu.memory_space<vmem>>) target_semaphore(%arg11 : memref<!tpu.dma_semaphore, #tpu.memory_space<semaphore_mem>>)
    %dma_wait3A_58 = arith.constant 0 : i32
    %dma_wait3A_59 = arith.constant 0 : i32
    %dma_wait3A_60 = tpu.memref_slice %arg8[%dma_wait3A_58, %dma_wait3A_59] : memref<2x4096xf32, #tpu.memory_space<vmem>> -> memref<1x4096xf32, #tpu.memory_space<vmem>>
    %dma_wait3A_61 = tpu.memref_squeeze %dma_wait3A_60 : memref<1x4096xf32, #tpu.memory_space<vmem>> -> memref<4096xf32, #tpu.memory_space<vmem>>
    %dma_wait3A_62 = arith.constant 0 : i32
    %dma_wait3A_63 = tpu.memref_slice %arg2[%add3A_17, %dma_wait3A_62] : memref<64x16384xf32, #tpu.memory_space<hbm>> -> memref<1x4096xf32, #tpu.memory_space<hbm>>
    %dma_wait3A_64 = tpu.memref_squeeze %dma_wait3A_63 : memref<1x4096xf32, #tpu.memory_space<hbm>> -> memref<4096xf32, #tpu.memory_space<hbm>>
    %dma_wait3A_65 = arith.constant 0 : i32
    %dma_wait3A_66 = tpu.memref_slice %arg8[%dma_wait3A_58, %dma_wait3A_65] : memref<2x4096xf32, #tpu.memory_space<vmem>> -> memref<1x4096xf32, #tpu.memory_space<vmem>>
    %dma_wait3A_67 = tpu.memref_squeeze %dma_wait3A_66 : memref<1x4096xf32, #tpu.memory_space<vmem>> -> memref<4096xf32, #tpu.memory_space<vmem>>
    %dma_wait3A_68 = arith.constant 0 : i32
    %dma_wait3A_69 = tpu.memref_slice %arg2[%add3A_17, %dma_wait3A_68] : memref<64x16384xf32, #tpu.memory_space<hbm>> -> memref<1x4096xf32, #tpu.memory_space<hbm>>
    %dma_wait3A_70 = tpu.memref_squeeze %dma_wait3A_69 : memref<1x4096xf32, #tpu.memory_space<hbm>> -> memref<4096xf32, #tpu.memory_space<hbm>>
    tpu.wait_dma2 semaphore(%arg11 : memref<!tpu.dma_semaphore, #tpu.memory_space<semaphore_mem>>) src(%dma_wait3A_70 : memref<4096xf32, #tpu.memory_space<hbm>>) dst(%dma_wait3A_67 : memref<4096xf32, #tpu.memory_space<vmem>>)
    %parallel_loop3A = arith.constant 0 : i32
    %parallel_loop3A_71 = arith.constant 256 : i32
    %parallel_loop3A_72 = arith.constant 1 : i32
    %parallel_loop3A_73 = arith.constant 0 : i32
    %parallel_loop3A_74 = scf.for %parallel_loop3A_322 = %parallel_loop3A to %parallel_loop3A_71 step %parallel_loop3A_72 iter_args(%parallel_loop3A_323 = %broadcast_in_dim3A_15) -> (vector<16xf32>)  : i32 {
      %parallel_loop3A_324 = arith.constant 16 : i32
      %parallel_loop3A_325 = arith.muli %parallel_loop3A_322, %parallel_loop3A_324 : i32
      %parallel_loop3A_326 = arith.constant 0 : i32
      %parallel_loop3A_327 = arith.addi %parallel_loop3A_326, %parallel_loop3A_325 : i32
      %parallel_loop3A_328 = arith.index_cast %parallel_loop3A_327 : i32 to index
      %parallel_loop3A_329 = tpu.vector_load %arg6[%parallel_loop3A_328] {strides = array<i32>} : memref<16384xi32, #tpu.memory_space<vmem>>, vector<16xi32>,
      %parallel_loop3A_330 = arith.constant 0 : i32
      %parallel_loop3A_331 = tpu.memref_slice %arg7[%parallel_loop3A_73, %parallel_loop3A_330] : memref<1x100000xf32, #tpu.memory_space<vmem>> -> memref<1x100000xf32, #tpu.memory_space<vmem>>
      %parallel_loop3A_332 = tpu.memref_squeeze %parallel_loop3A_331 : memref<1x100000xf32, #tpu.memory_space<vmem>> -> memref<100000xf32, #tpu.memory_space<vmem>>
      %parallel_loop3A_333 = tpu.vector_load_idx %parallel_loop3A_332[%parallel_loop3A_329] : memref<100000xf32, #tpu.memory_space<vmem>>[vector<16xi32>], vector<16xf32>,
      %parallel_loop3A_334 = arith.constant 0 : i32
      %parallel_loop3A_335 = arith.index_cast %parallel_loop3A_334 : i32 to index
      %parallel_loop3A_336 = arith.index_cast %parallel_loop3A_325 : i32 to index
      %parallel_loop3A_337 = tpu.vector_load %arg8[%parallel_loop3A_335, %parallel_loop3A_336] {strides = array<i32>} : memref<2x4096xf32, #tpu.memory_space<vmem>>, vector<16xf32>,
      %parallel_loop3A_338 = arith.subf %parallel_loop3A_337, %parallel_loop3A_333 : vector<16xf32>
      %parallel_loop3A_339 = arith.mulf %parallel_loop3A_338, %parallel_loop3A_338 : vector<16xf32>
      %parallel_loop3A_340 = arith.addf %parallel_loop3A_323, %parallel_loop3A_339 : vector<16xf32>
      scf.yield %parallel_loop3A_340 : vector<16xf32>
    } {sc.loop_unroll_factor = 8 : i64, sc.parallel_access}
    %add3A_75 = arith.constant 0 : i32
    %add3A_76 = arith.addi %mul3A_2, %add3A_75 : i32
    %dma_start3A_77 = arith.constant 0 : i32
    %dma_start3A_78 = arith.constant 0 : i32
    %dma_start3A_79 = tpu.memref_slice %arg8[%dma_start3A_77, %dma_start3A_78] : memref<2x4096xf32, #tpu.memory_space<vmem>> -> memref<1x4096xf32, #tpu.memory_space<vmem>>
    %dma_start3A_80 = tpu.memref_squeeze %dma_start3A_79 : memref<1x4096xf32, #tpu.memory_space<vmem>> -> memref<4096xf32, #tpu.memory_space<vmem>>
    %dma_start3A_81 = arith.constant 8192 : i32
    %dma_start3A_82 = tpu.memref_slice %arg2[%add3A_76, %dma_start3A_81] : memref<64x16384xf32, #tpu.memory_space<hbm>> -> memref<1x4096xf32, #tpu.memory_space<hbm>>
    %dma_start3A_83 = tpu.memref_squeeze %dma_start3A_82 : memref<1x4096xf32, #tpu.memory_space<hbm>> -> memref<4096xf32, #tpu.memory_space<hbm>>
    %dma_start3A_84 = arith.constant 0 : i32
    %dma_start3A_85 = tpu.memref_slice %arg8[%dma_start3A_77, %dma_start3A_84] : memref<2x4096xf32, #tpu.memory_space<vmem>> -> memref<1x4096xf32, #tpu.memory_space<vmem>>
    %dma_start3A_86 = tpu.memref_squeeze %dma_start3A_85 : memref<1x4096xf32, #tpu.memory_space<vmem>> -> memref<4096xf32, #tpu.memory_space<vmem>>
    %dma_start3A_87 = arith.constant 8192 : i32
    %dma_start3A_88 = tpu.memref_slice %arg2[%add3A_76, %dma_start3A_87] : memref<64x16384xf32, #tpu.memory_space<hbm>> -> memref<1x4096xf32, #tpu.memory_space<hbm>>
    %dma_start3A_89 = tpu.memref_squeeze %dma_start3A_88 : memref<1x4096xf32, #tpu.memory_space<hbm>> -> memref<4096xf32, #tpu.memory_space<hbm>>
    tpu.enqueue_dma source(%dma_start3A_89 : memref<4096xf32, #tpu.memory_space<hbm>>) target(%dma_start3A_86 : memref<4096xf32, #tpu.memory_space<vmem>>) target_semaphore(%arg11 : memref<!tpu.dma_semaphore, #tpu.memory_space<semaphore_mem>>)
    %dma_wait3A_90 = arith.constant 1 : i32
    %dma_wait3A_91 = arith.constant 0 : i32
    %dma_wait3A_92 = tpu.memref_slice %arg8[%dma_wait3A_90, %dma_wait3A_91] : memref<2x4096xf32, #tpu.memory_space<vmem>> -> memref<1x4096xf32, #tpu.memory_space<vmem>>
    %dma_wait3A_93 = tpu.memref_squeeze %dma_wait3A_92 : memref<1x4096xf32, #tpu.memory_space<vmem>> -> memref<4096xf32, #tpu.memory_space<vmem>>
    %dma_wait3A_94 = arith.constant 4096 : i32
    %dma_wait3A_95 = tpu.memref_slice %arg2[%add3A_44, %dma_wait3A_94] : memref<64x16384xf32, #tpu.memory_space<hbm>> -> memref<1x4096xf32, #tpu.memory_space<hbm>>
    %dma_wait3A_96 = tpu.memref_squeeze %dma_wait3A_95 : memref<1x4096xf32, #tpu.memory_space<hbm>> -> memref<4096xf32, #tpu.memory_space<hbm>>
    %dma_wait3A_97 = arith.constant 0 : i32
    %dma_wait3A_98 = tpu.memref_slice %arg8[%dma_wait3A_90, %dma_wait3A_97] : memref<2x4096xf32, #tpu.memory_space<vmem>> -> memref<1x4096xf32, #tpu.memory_space<vmem>>
    %dma_wait3A_99 = tpu.memref_squeeze %dma_wait3A_98 : memref<1x4096xf32, #tpu.memory_space<vmem>> -> memref<4096xf32, #tpu.memory_space<vmem>>
    %dma_wait3A_100 = arith.constant 4096 : i32
    %dma_wait3A_101 = tpu.memref_slice %arg2[%add3A_44, %dma_wait3A_100] : memref<64x16384xf32, #tpu.memory_space<hbm>> -> memref<1x4096xf32, #tpu.memory_space<hbm>>
    %dma_wait3A_102 = tpu.memref_squeeze %dma_wait3A_101 : memref<1x4096xf32, #tpu.memory_space<hbm>> -> memref<4096xf32, #tpu.memory_space<hbm>>
    tpu.wait_dma2 semaphore(%arg11 : memref<!tpu.dma_semaphore, #tpu.memory_space<semaphore_mem>>) src(%dma_wait3A_102 : memref<4096xf32, #tpu.memory_space<hbm>>) dst(%dma_wait3A_99 : memref<4096xf32, #tpu.memory_space<vmem>>)
    %parallel_loop3A_103 = arith.constant 0 : i32
    %parallel_loop3A_104 = arith.constant 256 : i32
    %parallel_loop3A_105 = arith.constant 1 : i32
    %parallel_loop3A_106 = arith.constant 0 : i32
    %parallel_loop3A_107 = scf.for %parallel_loop3A_322 = %parallel_loop3A_103 to %parallel_loop3A_104 step %parallel_loop3A_105 iter_args(%parallel_loop3A_323 = %parallel_loop3A_74) -> (vector<16xf32>)  : i32 {
      %parallel_loop3A_324 = arith.constant 16 : i32
      %parallel_loop3A_325 = arith.muli %parallel_loop3A_322, %parallel_loop3A_324 : i32
      %parallel_loop3A_326 = arith.constant 4096 : i32
      %parallel_loop3A_327 = arith.addi %parallel_loop3A_326, %parallel_loop3A_325 : i32
      %parallel_loop3A_328 = arith.index_cast %parallel_loop3A_327 : i32 to index
      %parallel_loop3A_329 = tpu.vector_load %arg6[%parallel_loop3A_328] {strides = array<i32>} : memref<16384xi32, #tpu.memory_space<vmem>>, vector<16xi32>,
      %parallel_loop3A_330 = arith.constant 0 : i32
      %parallel_loop3A_331 = tpu.memref_slice %arg7[%parallel_loop3A_106, %parallel_loop3A_330] : memref<1x100000xf32, #tpu.memory_space<vmem>> -> memref<1x100000xf32, #tpu.memory_space<vmem>>
      %parallel_loop3A_332 = tpu.memref_squeeze %parallel_loop3A_331 : memref<1x100000xf32, #tpu.memory_space<vmem>> -> memref<100000xf32, #tpu.memory_space<vmem>>
      %parallel_loop3A_333 = tpu.vector_load_idx %parallel_loop3A_332[%parallel_loop3A_329] : memref<100000xf32, #tpu.memory_space<vmem>>[vector<16xi32>], vector<16xf32>,
      %parallel_loop3A_334 = arith.constant 1 : i32
      %parallel_loop3A_335 = arith.index_cast %parallel_loop3A_334 : i32 to index
      %parallel_loop3A_336 = arith.index_cast %parallel_loop3A_325 : i32 to index
      %parallel_loop3A_337 = tpu.vector_load %arg8[%parallel_loop3A_335, %parallel_loop3A_336] {strides = array<i32>} : memref<2x4096xf32, #tpu.memory_space<vmem>>, vector<16xf32>,
      %parallel_loop3A_338 = arith.subf %parallel_loop3A_337, %parallel_loop3A_333 : vector<16xf32>
      %parallel_loop3A_339 = arith.mulf %parallel_loop3A_338, %parallel_loop3A_338 : vector<16xf32>
      %parallel_loop3A_340 = arith.addf %parallel_loop3A_323, %parallel_loop3A_339 : vector<16xf32>
      scf.yield %parallel_loop3A_340 : vector<16xf32>
    } {sc.loop_unroll_factor = 8 : i64, sc.parallel_access}
    %add3A_108 = arith.constant 0 : i32
    %add3A_109 = arith.addi %mul3A_2, %add3A_108 : i32
    %dma_start3A_110 = arith.constant 1 : i32
    %dma_start3A_111 = arith.constant 0 : i32
    %dma_start3A_112 = tpu.memref_slice %arg8[%dma_start3A_110, %dma_start3A_111] : memref<2x4096xf32, #tpu.memory_space<vmem>> -> memref<1x4096xf32, #tpu.memory_space<vmem>>
    %dma_start3A_113 = tpu.memref_squeeze %dma_start3A_112 : memref<1x4096xf32, #tpu.memory_space<vmem>> -> memref<4096xf32, #tpu.memory_space<vmem>>
    %dma_start3A_114 = arith.constant 12288 : i32
    %dma_start3A_115 = tpu.memref_slice %arg2[%add3A_109, %dma_start3A_114] : memref<64x16384xf32, #tpu.memory_space<hbm>> -> memref<1x4096xf32, #tpu.memory_space<hbm>>
    %dma_start3A_116 = tpu.memref_squeeze %dma_start3A_115 : memref<1x4096xf32, #tpu.memory_space<hbm>> -> memref<4096xf32, #tpu.memory_space<hbm>>
    %dma_start3A_117 = arith.constant 0 : i32
    %dma_start3A_118 = tpu.memref_slice %arg8[%dma_start3A_110, %dma_start3A_117] : memref<2x4096xf32, #tpu.memory_space<vmem>> -> memref<1x4096xf32, #tpu.memory_space<vmem>>
    %dma_start3A_119 = tpu.memref_squeeze %dma_start3A_118 : memref<1x4096xf32, #tpu.memory_space<vmem>> -> memref<4096xf32, #tpu.memory_space<vmem>>
    %dma_start3A_120 = arith.constant 12288 : i32
    %dma_start3A_121 = tpu.memref_slice %arg2[%add3A_109, %dma_start3A_120] : memref<64x16384xf32, #tpu.memory_space<hbm>> -> memref<1x4096xf32, #tpu.memory_space<hbm>>
    %dma_start3A_122 = tpu.memref_squeeze %dma_start3A_121 : memref<1x4096xf32, #tpu.memory_space<hbm>> -> memref<4096xf32, #tpu.memory_space<hbm>>
    tpu.enqueue_dma source(%dma_start3A_122 : memref<4096xf32, #tpu.memory_space<hbm>>) target(%dma_start3A_119 : memref<4096xf32, #tpu.memory_space<vmem>>) target_semaphore(%arg11 : memref<!tpu.dma_semaphore, #tpu.memory_space<semaphore_mem>>)
    %dma_wait3A_123 = arith.constant 0 : i32
    %dma_wait3A_124 = arith.constant 0 : i32
    %dma_wait3A_125 = tpu.memref_slice %arg8[%dma_wait3A_123, %dma_wait3A_124] : memref<2x4096xf32, #tpu.memory_space<vmem>> -> memref<1x4096xf32, #tpu.memory_space<vmem>>
    %dma_wait3A_126 = tpu.memref_squeeze %dma_wait3A_125 : memref<1x4096xf32, #tpu.memory_space<vmem>> -> memref<4096xf32, #tpu.memory_space<vmem>>
    %dma_wait3A_127 = arith.constant 8192 : i32
    %dma_wait3A_128 = tpu.memref_slice %arg2[%add3A_76, %dma_wait3A_127] : memref<64x16384xf32, #tpu.memory_space<hbm>> -> memref<1x4096xf32, #tpu.memory_space<hbm>>
    %dma_wait3A_129 = tpu.memref_squeeze %dma_wait3A_128 : memref<1x4096xf32, #tpu.memory_space<hbm>> -> memref<4096xf32, #tpu.memory_space<hbm>>
    %dma_wait3A_130 = arith.constant 0 : i32
    %dma_wait3A_131 = tpu.memref_slice %arg8[%dma_wait3A_123, %dma_wait3A_130] : memref<2x4096xf32, #tpu.memory_space<vmem>> -> memref<1x4096xf32, #tpu.memory_space<vmem>>
    %dma_wait3A_132 = tpu.memref_squeeze %dma_wait3A_131 : memref<1x4096xf32, #tpu.memory_space<vmem>> -> memref<4096xf32, #tpu.memory_space<vmem>>
    %dma_wait3A_133 = arith.constant 8192 : i32
    %dma_wait3A_134 = tpu.memref_slice %arg2[%add3A_76, %dma_wait3A_133] : memref<64x16384xf32, #tpu.memory_space<hbm>> -> memref<1x4096xf32, #tpu.memory_space<hbm>>
    %dma_wait3A_135 = tpu.memref_squeeze %dma_wait3A_134 : memref<1x4096xf32, #tpu.memory_space<hbm>> -> memref<4096xf32, #tpu.memory_space<hbm>>
    tpu.wait_dma2 semaphore(%arg11 : memref<!tpu.dma_semaphore, #tpu.memory_space<semaphore_mem>>) src(%dma_wait3A_135 : memref<4096xf32, #tpu.memory_space<hbm>>) dst(%dma_wait3A_132 : memref<4096xf32, #tpu.memory_space<vmem>>)
    %parallel_loop3A_136 = arith.constant 0 : i32
    %parallel_loop3A_137 = arith.constant 256 : i32
    %parallel_loop3A_138 = arith.constant 1 : i32
    %parallel_loop3A_139 = arith.constant 0 : i32
    %parallel_loop3A_140 = scf.for %parallel_loop3A_322 = %parallel_loop3A_136 to %parallel_loop3A_137 step %parallel_loop3A_138 iter_args(%parallel_loop3A_323 = %parallel_loop3A_107) -> (vector<16xf32>)  : i32 {
      %parallel_loop3A_324 = arith.constant 16 : i32
      %parallel_loop3A_325 = arith.muli %parallel_loop3A_322, %parallel_loop3A_324 : i32
      %parallel_loop3A_326 = arith.constant 8192 : i32
      %parallel_loop3A_327 = arith.addi %parallel_loop3A_326, %parallel_loop3A_325 : i32
      %parallel_loop3A_328 = arith.index_cast %parallel_loop3A_327 : i32 to index
      %parallel_loop3A_329 = tpu.vector_load %arg6[%parallel_loop3A_328] {strides = array<i32>} : memref<16384xi32, #tpu.memory_space<vmem>>, vector<16xi32>,
      %parallel_loop3A_330 = arith.constant 0 : i32
      %parallel_loop3A_331 = tpu.memref_slice %arg7[%parallel_loop3A_139, %parallel_loop3A_330] : memref<1x100000xf32, #tpu.memory_space<vmem>> -> memref<1x100000xf32, #tpu.memory_space<vmem>>
      %parallel_loop3A_332 = tpu.memref_squeeze %parallel_loop3A_331 : memref<1x100000xf32, #tpu.memory_space<vmem>> -> memref<100000xf32, #tpu.memory_space<vmem>>
      %parallel_loop3A_333 = tpu.vector_load_idx %parallel_loop3A_332[%parallel_loop3A_329] : memref<100000xf32, #tpu.memory_space<vmem>>[vector<16xi32>], vector<16xf32>,
      %parallel_loop3A_334 = arith.constant 0 : i32
      %parallel_loop3A_335 = arith.index_cast %parallel_loop3A_334 : i32 to index
      %parallel_loop3A_336 = arith.index_cast %parallel_loop3A_325 : i32 to index
      %parallel_loop3A_337 = tpu.vector_load %arg8[%parallel_loop3A_335, %parallel_loop3A_336] {strides = array<i32>} : memref<2x4096xf32, #tpu.memory_space<vmem>>, vector<16xf32>,
      %parallel_loop3A_338 = arith.subf %parallel_loop3A_337, %parallel_loop3A_333 : vector<16xf32>
      %parallel_loop3A_339 = arith.mulf %parallel_loop3A_338, %parallel_loop3A_338 : vector<16xf32>
      %parallel_loop3A_340 = arith.addf %parallel_loop3A_323, %parallel_loop3A_339 : vector<16xf32>
      scf.yield %parallel_loop3A_340 : vector<16xf32>
    } {sc.loop_unroll_factor = 8 : i64, sc.parallel_access}
    %dma_wait3A_141 = arith.constant 1 : i32
    %dma_wait3A_142 = arith.constant 0 : i32
    %dma_wait3A_143 = tpu.memref_slice %arg8[%dma_wait3A_141, %dma_wait3A_142] : memref<2x4096xf32, #tpu.memory_space<vmem>> -> memref<1x4096xf32, #tpu.memory_space<vmem>>
    %dma_wait3A_144 = tpu.memref_squeeze %dma_wait3A_143 : memref<1x4096xf32, #tpu.memory_space<vmem>> -> memref<4096xf32, #tpu.memory_space<vmem>>
    %dma_wait3A_145 = arith.constant 12288 : i32
    %dma_wait3A_146 = tpu.memref_slice %arg2[%add3A_109, %dma_wait3A_145] : memref<64x16384xf32, #tpu.memory_space<hbm>> -> memref<1x4096xf32, #tpu.memory_space<hbm>>
    %dma_wait3A_147 = tpu.memref_squeeze %dma_wait3A_146 : memref<1x4096xf32, #tpu.memory_space<hbm>> -> memref<4096xf32, #tpu.memory_space<hbm>>
    %dma_wait3A_148 = arith.constant 0 : i32
    %dma_wait3A_149 = tpu.memref_slice %arg8[%dma_wait3A_141, %dma_wait3A_148] : memref<2x4096xf32, #tpu.memory_space<vmem>> -> memref<1x4096xf32, #tpu.memory_space<vmem>>
    %dma_wait3A_150 = tpu.memref_squeeze %dma_wait3A_149 : memref<1x4096xf32, #tpu.memory_space<vmem>> -> memref<4096xf32, #tpu.memory_space<vmem>>
    %dma_wait3A_151 = arith.constant 12288 : i32
    %dma_wait3A_152 = tpu.memref_slice %arg2[%add3A_109, %dma_wait3A_151] : memref<64x16384xf32, #tpu.memory_space<hbm>> -> memref<1x4096xf32, #tpu.memory_space<hbm>>
    %dma_wait3A_153 = tpu.memref_squeeze %dma_wait3A_152 : memref<1x4096xf32, #tpu.memory_space<hbm>> -> memref<4096xf32, #tpu.memory_space<hbm>>
    tpu.wait_dma2 semaphore(%arg11 : memref<!tpu.dma_semaphore, #tpu.memory_space<semaphore_mem>>) src(%dma_wait3A_153 : memref<4096xf32, #tpu.memory_space<hbm>>) dst(%dma_wait3A_150 : memref<4096xf32, #tpu.memory_space<vmem>>)
    %parallel_loop3A_154 = arith.constant 0 : i32
    %parallel_loop3A_155 = arith.constant 256 : i32
    %parallel_loop3A_156 = arith.constant 1 : i32
    %parallel_loop3A_157 = arith.constant 0 : i32
    %parallel_loop3A_158 = scf.for %parallel_loop3A_322 = %parallel_loop3A_154 to %parallel_loop3A_155 step %parallel_loop3A_156 iter_args(%parallel_loop3A_323 = %parallel_loop3A_140) -> (vector<16xf32>)  : i32 {
      %parallel_loop3A_324 = arith.constant 16 : i32
      %parallel_loop3A_325 = arith.muli %parallel_loop3A_322, %parallel_loop3A_324 : i32
      %parallel_loop3A_326 = arith.constant 12288 : i32
      %parallel_loop3A_327 = arith.addi %parallel_loop3A_326, %parallel_loop3A_325 : i32
      %parallel_loop3A_328 = arith.index_cast %parallel_loop3A_327 : i32 to index
      %parallel_loop3A_329 = tpu.vector_load %arg6[%parallel_loop3A_328] {strides = array<i32>} : memref<16384xi32, #tpu.memory_space<vmem>>, vector<16xi32>,
      %parallel_loop3A_330 = arith.constant 0 : i32
      %parallel_loop3A_331 = tpu.memref_slice %arg7[%parallel_loop3A_157, %parallel_loop3A_330] : memref<1x100000xf32, #tpu.memory_space<vmem>> -> memref<1x100000xf32, #tpu.memory_space<vmem>>
      %parallel_loop3A_332 = tpu.memref_squeeze %parallel_loop3A_331 : memref<1x100000xf32, #tpu.memory_space<vmem>> -> memref<100000xf32, #tpu.memory_space<vmem>>
      %parallel_loop3A_333 = tpu.vector_load_idx %parallel_loop3A_332[%parallel_loop3A_329] : memref<100000xf32, #tpu.memory_space<vmem>>[vector<16xi32>], vector<16xf32>,
      %parallel_loop3A_334 = arith.constant 1 : i32
      %parallel_loop3A_335 = arith.index_cast %parallel_loop3A_334 : i32 to index
      %parallel_loop3A_336 = arith.index_cast %parallel_loop3A_325 : i32 to index
      %parallel_loop3A_337 = tpu.vector_load %arg8[%parallel_loop3A_335, %parallel_loop3A_336] {strides = array<i32>} : memref<2x4096xf32, #tpu.memory_space<vmem>>, vector<16xf32>,
      %parallel_loop3A_338 = arith.subf %parallel_loop3A_337, %parallel_loop3A_333 : vector<16xf32>
      %parallel_loop3A_339 = arith.mulf %parallel_loop3A_338, %parallel_loop3A_338 : vector<16xf32>
      %parallel_loop3A_340 = arith.addf %parallel_loop3A_323, %parallel_loop3A_339 : vector<16xf32>
      scf.yield %parallel_loop3A_340 : vector<16xf32>
    } {sc.loop_unroll_factor = 8 : i64, sc.parallel_access}
    %add3A_159 = arith.constant 0 : i32
    %add3A_160 = arith.addi %mul3A_2, %add3A_159 : i32
    %add3A_161 = arith.constant 1 : i32
    %add3A_162 = arith.addi %add3A_160, %add3A_161 : i32
    %dma_start3A_163 = arith.constant 0 : i32
    %dma_start3A_164 = arith.constant 0 : i32
    %dma_start3A_165 = tpu.memref_slice %arg7[%dma_start3A_163, %dma_start3A_164] : memref<1x100000xf32, #tpu.memory_space<vmem>> -> memref<1x100000xf32, #tpu.memory_space<vmem>>
    %dma_start3A_166 = tpu.memref_squeeze %dma_start3A_165 : memref<1x100000xf32, #tpu.memory_space<vmem>> -> memref<100000xf32, #tpu.memory_space<vmem>>
    %dma_start3A_167 = arith.constant 0 : i32
    %dma_start3A_168 = tpu.memref_slice %arg4[%add3A_162, %dma_start3A_167] : memref<64x100000xf32, #tpu.memory_space<hbm>> -> memref<1x100000xf32, #tpu.memory_space<hbm>>
    %dma_start3A_169 = tpu.memref_squeeze %dma_start3A_168 : memref<1x100000xf32, #tpu.memory_space<hbm>> -> memref<100000xf32, #tpu.memory_space<hbm>>
    %dma_start3A_170 = arith.constant 0 : i32
    %dma_start3A_171 = tpu.memref_slice %arg7[%dma_start3A_163, %dma_start3A_170] : memref<1x100000xf32, #tpu.memory_space<vmem>> -> memref<1x100000xf32, #tpu.memory_space<vmem>>
    %dma_start3A_172 = tpu.memref_squeeze %dma_start3A_171 : memref<1x100000xf32, #tpu.memory_space<vmem>> -> memref<100000xf32, #tpu.memory_space<vmem>>
    %dma_start3A_173 = arith.constant 0 : i32
    %dma_start3A_174 = tpu.memref_slice %arg4[%add3A_162, %dma_start3A_173] : memref<64x100000xf32, #tpu.memory_space<hbm>> -> memref<1x100000xf32, #tpu.memory_space<hbm>>
    %dma_start3A_175 = tpu.memref_squeeze %dma_start3A_174 : memref<1x100000xf32, #tpu.memory_space<hbm>> -> memref<100000xf32, #tpu.memory_space<hbm>>
    tpu.enqueue_dma source(%dma_start3A_175 : memref<100000xf32, #tpu.memory_space<hbm>>) target(%dma_start3A_172 : memref<100000xf32, #tpu.memory_space<vmem>>) target_semaphore(%arg10 : memref<!tpu.dma_semaphore, #tpu.memory_space<semaphore_mem>>)
    %add3A_176 = arith.constant 1 : i32
    %add3A_177 = arith.addi %mul3A_2, %add3A_176 : i32
    %dma_start3A_178 = arith.constant 0 : i32
    %dma_start3A_179 = arith.constant 0 : i32
    %dma_start3A_180 = tpu.memref_slice %arg8[%dma_start3A_178, %dma_start3A_179] : memref<2x4096xf32, #tpu.memory_space<vmem>> -> memref<1x4096xf32, #tpu.memory_space<vmem>>
    %dma_start3A_181 = tpu.memref_squeeze %dma_start3A_180 : memref<1x4096xf32, #tpu.memory_space<vmem>> -> memref<4096xf32, #tpu.memory_space<vmem>>
    %dma_start3A_182 = arith.constant 0 : i32
    %dma_start3A_183 = tpu.memref_slice %arg2[%add3A_177, %dma_start3A_182] : memref<64x16384xf32, #tpu.memory_space<hbm>> -> memref<1x4096xf32, #tpu.memory_space<hbm>>
    %dma_start3A_184 = tpu.memref_squeeze %dma_start3A_183 : memref<1x4096xf32, #tpu.memory_space<hbm>> -> memref<4096xf32, #tpu.memory_space<hbm>>
    %dma_start3A_185 = arith.constant 0 : i32
    %dma_start3A_186 = tpu.memref_slice %arg8[%dma_start3A_178, %dma_start3A_185] : memref<2x4096xf32, #tpu.memory_space<vmem>> -> memref<1x4096xf32, #tpu.memory_space<vmem>>
    %dma_start3A_187 = tpu.memref_squeeze %dma_start3A_186 : memref<1x4096xf32, #tpu.memory_space<vmem>> -> memref<4096xf32, #tpu.memory_space<vmem>>
    %dma_start3A_188 = arith.constant 0 : i32
    %dma_start3A_189 = tpu.memref_slice %arg2[%add3A_177, %dma_start3A_188] : memref<64x16384xf32, #tpu.memory_space<hbm>> -> memref<1x4096xf32, #tpu.memory_space<hbm>>
    %dma_start3A_190 = tpu.memref_squeeze %dma_start3A_189 : memref<1x4096xf32, #tpu.memory_space<hbm>> -> memref<4096xf32, #tpu.memory_space<hbm>>
    tpu.enqueue_dma source(%dma_start3A_190 : memref<4096xf32, #tpu.memory_space<hbm>>) target(%dma_start3A_187 : memref<4096xf32, #tpu.memory_space<vmem>>) target_semaphore(%arg11 : memref<!tpu.dma_semaphore, #tpu.memory_space<semaphore_mem>>)
    %dma_wait3A_191 = arith.constant 0 : i32
    %dma_wait3A_192 = arith.constant 0 : i32
    %dma_wait3A_193 = tpu.memref_slice %arg7[%dma_wait3A_191, %dma_wait3A_192] : memref<1x100000xf32, #tpu.memory_space<vmem>> -> memref<1x100000xf32, #tpu.memory_space<vmem>>
    %dma_wait3A_194 = tpu.memref_squeeze %dma_wait3A_193 : memref<1x100000xf32, #tpu.memory_space<vmem>> -> memref<100000xf32, #tpu.memory_space<vmem>>
    %dma_wait3A_195 = arith.constant 0 : i32
    %dma_wait3A_196 = tpu.memref_slice %arg4[%add3A_162, %dma_wait3A_195] : memref<64x100000xf32, #tpu.memory_space<hbm>> -> memref<1x100000xf32, #tpu.memory_space<hbm>>
    %dma_wait3A_197 = tpu.memref_squeeze %dma_wait3A_196 : memref<1x100000xf32, #tpu.memory_space<hbm>> -> memref<100000xf32, #tpu.memory_space<hbm>>
    %dma_wait3A_198 = arith.constant 0 : i32
    %dma_wait3A_199 = tpu.memref_slice %arg7[%dma_wait3A_191, %dma_wait3A_198] : memref<1x100000xf32, #tpu.memory_space<vmem>> -> memref<1x100000xf32, #tpu.memory_space<vmem>>
    %dma_wait3A_200 = tpu.memref_squeeze %dma_wait3A_199 : memref<1x100000xf32, #tpu.memory_space<vmem>> -> memref<100000xf32, #tpu.memory_space<vmem>>
    %dma_wait3A_201 = arith.constant 0 : i32
    %dma_wait3A_202 = tpu.memref_slice %arg4[%add3A_162, %dma_wait3A_201] : memref<64x100000xf32, #tpu.memory_space<hbm>> -> memref<1x100000xf32, #tpu.memory_space<hbm>>
    %dma_wait3A_203 = tpu.memref_squeeze %dma_wait3A_202 : memref<1x100000xf32, #tpu.memory_space<hbm>> -> memref<100000xf32, #tpu.memory_space<hbm>>
    tpu.wait_dma2 semaphore(%arg10 : memref<!tpu.dma_semaphore, #tpu.memory_space<semaphore_mem>>) src(%dma_wait3A_203 : memref<100000xf32, #tpu.memory_space<hbm>>) dst(%dma_wait3A_200 : memref<100000xf32, #tpu.memory_space<vmem>>)
    %add3A_204 = arith.constant 1 : i32
    %add3A_205 = arith.addi %mul3A_2, %add3A_204 : i32
    %dma_start3A_206 = arith.constant 1 : i32
    %dma_start3A_207 = arith.constant 0 : i32
    %dma_start3A_208 = tpu.memref_slice %arg8[%dma_start3A_206, %dma_start3A_207] : memref<2x4096xf32, #tpu.memory_space<vmem>> -> memref<1x4096xf32, #tpu.memory_space<vmem>>
    %dma_start3A_209 = tpu.memref_squeeze %dma_start3A_208 : memref<1x4096xf32, #tpu.memory_space<vmem>> -> memref<4096xf32, #tpu.memory_space<vmem>>
    %dma_start3A_210 = arith.constant 4096 : i32
    %dma_start3A_211 = tpu.memref_slice %arg2[%add3A_205, %dma_start3A_210] : memref<64x16384xf32, #tpu.memory_space<hbm>> -> memref<1x4096xf32, #tpu.memory_space<hbm>>
    %dma_start3A_212 = tpu.memref_squeeze %dma_start3A_211 : memref<1x4096xf32, #tpu.memory_space<hbm>> -> memref<4096xf32, #tpu.memory_space<hbm>>
    %dma_start3A_213 = arith.constant 0 : i32
    %dma_start3A_214 = tpu.memref_slice %arg8[%dma_start3A_206, %dma_start3A_213] : memref<2x4096xf32, #tpu.memory_space<vmem>> -> memref<1x4096xf32, #tpu.memory_space<vmem>>
    %dma_start3A_215 = tpu.memref_squeeze %dma_start3A_214 : memref<1x4096xf32, #tpu.memory_space<vmem>> -> memref<4096xf32, #tpu.memory_space<vmem>>
    %dma_start3A_216 = arith.constant 4096 : i32
    %dma_start3A_217 = tpu.memref_slice %arg2[%add3A_205, %dma_start3A_216] : memref<64x16384xf32, #tpu.memory_space<hbm>> -> memref<1x4096xf32, #tpu.memory_space<hbm>>
    %dma_start3A_218 = tpu.memref_squeeze %dma_start3A_217 : memref<1x4096xf32, #tpu.memory_space<hbm>> -> memref<4096xf32, #tpu.memory_space<hbm>>
    tpu.enqueue_dma source(%dma_start3A_218 : memref<4096xf32, #tpu.memory_space<hbm>>) target(%dma_start3A_215 : memref<4096xf32, #tpu.memory_space<vmem>>) target_semaphore(%arg11 : memref<!tpu.dma_semaphore, #tpu.memory_space<semaphore_mem>>)
    %dma_wait3A_219 = arith.constant 0 : i32
    %dma_wait3A_220 = arith.constant 0 : i32
    %dma_wait3A_221 = tpu.memref_slice %arg8[%dma_wait3A_219, %dma_wait3A_220] : memref<2x4096xf32, #tpu.memory_space<vmem>> -> memref<1x4096xf32, #tpu.memory_space<vmem>>
    %dma_wait3A_222 = tpu.memref_squeeze %dma_wait3A_221 : memref<1x4096xf32, #tpu.memory_space<vmem>> -> memref<4096xf32, #tpu.memory_space<vmem>>
    %dma_wait3A_223 = arith.constant 0 : i32
    %dma_wait3A_224 = tpu.memref_slice %arg2[%add3A_177, %dma_wait3A_223] : memref<64x16384xf32, #tpu.memory_space<hbm>> -> memref<1x4096xf32, #tpu.memory_space<hbm>>
    %dma_wait3A_225 = tpu.memref_squeeze %dma_wait3A_224 : memref<1x4096xf32, #tpu.memory_space<hbm>> -> memref<4096xf32, #tpu.memory_space<hbm>>
    %dma_wait3A_226 = arith.constant 0 : i32
    %dma_wait3A_227 = tpu.memref_slice %arg8[%dma_wait3A_219, %dma_wait3A_226] : memref<2x4096xf32, #tpu.memory_space<vmem>> -> memref<1x4096xf32, #tpu.memory_space<vmem>>
    %dma_wait3A_228 = tpu.memref_squeeze %dma_wait3A_227 : memref<1x4096xf32, #tpu.memory_space<vmem>> -> memref<4096xf32, #tpu.memory_space<vmem>>
    %dma_wait3A_229 = arith.constant 0 : i32
    %dma_wait3A_230 = tpu.memref_slice %arg2[%add3A_177, %dma_wait3A_229] : memref<64x16384xf32, #tpu.memory_space<hbm>> -> memref<1x4096xf32, #tpu.memory_space<hbm>>
    %dma_wait3A_231 = tpu.memref_squeeze %dma_wait3A_230 : memref<1x4096xf32, #tpu.memory_space<hbm>> -> memref<4096xf32, #tpu.memory_space<hbm>>
    tpu.wait_dma2 semaphore(%arg11 : memref<!tpu.dma_semaphore, #tpu.memory_space<semaphore_mem>>) src(%dma_wait3A_231 : memref<4096xf32, #tpu.memory_space<hbm>>) dst(%dma_wait3A_228 : memref<4096xf32, #tpu.memory_space<vmem>>)
    %parallel_loop3A_232 = arith.constant 0 : i32
    %parallel_loop3A_233 = arith.constant 256 : i32
    %parallel_loop3A_234 = arith.constant 1 : i32
    %parallel_loop3A_235 = arith.constant 0 : i32
    %parallel_loop3A_236 = scf.for %parallel_loop3A_322 = %parallel_loop3A_232 to %parallel_loop3A_233 step %parallel_loop3A_234 iter_args(%parallel_loop3A_323 = %parallel_loop3A_158) -> (vector<16xf32>)  : i32 {
      %parallel_loop3A_324 = arith.constant 16 : i32
      %parallel_loop3A_325 = arith.muli %parallel_loop3A_322, %parallel_loop3A_324 : i32
      %parallel_loop3A_326 = arith.constant 0 : i32
      %parallel_loop3A_327 = arith.addi %parallel_loop3A_326, %parallel_loop3A_325 : i32
      %parallel_loop3A_328 = arith.index_cast %parallel_loop3A_327 : i32 to index
      %parallel_loop3A_329 = tpu.vector_load %arg6[%parallel_loop3A_328] {strides = array<i32>} : memref<16384xi32, #tpu.memory_space<vmem>>, vector<16xi32>,
      %parallel_loop3A_330 = arith.constant 0 : i32
      %parallel_loop3A_331 = tpu.memref_slice %arg7[%parallel_loop3A_235, %parallel_loop3A_330] : memref<1x100000xf32, #tpu.memory_space<vmem>> -> memref<1x100000xf32, #tpu.memory_space<vmem>>
      %parallel_loop3A_332 = tpu.memref_squeeze %parallel_loop3A_331 : memref<1x100000xf32, #tpu.memory_space<vmem>> -> memref<100000xf32, #tpu.memory_space<vmem>>
      %parallel_loop3A_333 = tpu.vector_load_idx %parallel_loop3A_332[%parallel_loop3A_329] : memref<100000xf32, #tpu.memory_space<vmem>>[vector<16xi32>], vector<16xf32>,
      %parallel_loop3A_334 = arith.constant 0 : i32
      %parallel_loop3A_335 = arith.index_cast %parallel_loop3A_334 : i32 to index
      %parallel_loop3A_336 = arith.index_cast %parallel_loop3A_325 : i32 to index
      %parallel_loop3A_337 = tpu.vector_load %arg8[%parallel_loop3A_335, %parallel_loop3A_336] {strides = array<i32>} : memref<2x4096xf32, #tpu.memory_space<vmem>>, vector<16xf32>,
      %parallel_loop3A_338 = arith.subf %parallel_loop3A_337, %parallel_loop3A_333 : vector<16xf32>
      %parallel_loop3A_339 = arith.mulf %parallel_loop3A_338, %parallel_loop3A_338 : vector<16xf32>
      %parallel_loop3A_340 = arith.addf %parallel_loop3A_323, %parallel_loop3A_339 : vector<16xf32>
      scf.yield %parallel_loop3A_340 : vector<16xf32>
    } {sc.loop_unroll_factor = 8 : i64, sc.parallel_access}
    %add3A_237 = arith.constant 1 : i32
    %add3A_238 = arith.addi %mul3A_2, %add3A_237 : i32
    %dma_start3A_239 = arith.constant 0 : i32
    %dma_start3A_240 = arith.constant 0 : i32
    %dma_start3A_241 = tpu.memref_slice %arg8[%dma_start3A_239, %dma_start3A_240] : memref<2x4096xf32, #tpu.memory_space<vmem>> -> memref<1x4096xf32, #tpu.memory_space<vmem>>
    %dma_start3A_242 = tpu.memref_squeeze %dma_start3A_241 : memref<1x4096xf32, #tpu.memory_space<vmem>> -> memref<4096xf32, #tpu.memory_space<vmem>>
    %dma_start3A_243 = arith.constant 8192 : i32
    %dma_start3A_244 = tpu.memref_slice %arg2[%add3A_238, %dma_start3A_243] : memref<64x16384xf32, #tpu.memory_space<hbm>> -> memref<1x4096xf32, #tpu.memory_space<hbm>>
    %dma_start3A_245 = tpu.memref_squeeze %dma_start3A_244 : memref<1x4096xf32, #tpu.memory_space<hbm>> -> memref<4096xf32, #tpu.memory_space<hbm>>
    %dma_start3A_246 = arith.constant 0 : i32
    %dma_start3A_247 = tpu.memref_slice %arg8[%dma_start3A_239, %dma_start3A_246] : memref<2x4096xf32, #tpu.memory_space<vmem>> -> memref<1x4096xf32, #tpu.memory_space<vmem>>
    %dma_start3A_248 = tpu.memref_squeeze %dma_start3A_247 : memref<1x4096xf32, #tpu.memory_space<vmem>> -> memref<4096xf32, #tpu.memory_space<vmem>>
    %dma_start3A_249 = arith.constant 8192 : i32
    %dma_start3A_250 = tpu.memref_slice %arg2[%add3A_238, %dma_start3A_249] : memref<64x16384xf32, #tpu.memory_space<hbm>> -> memref<1x4096xf32, #tpu.memory_space<hbm>>
    %dma_start3A_251 = tpu.memref_squeeze %dma_start3A_250 : memref<1x4096xf32, #tpu.memory_space<hbm>> -> memref<4096xf32, #tpu.memory_space<hbm>>
    tpu.enqueue_dma source(%dma_start3A_251 : memref<4096xf32, #tpu.memory_space<hbm>>) target(%dma_start3A_248 : memref<4096xf32, #tpu.memory_space<vmem>>) target_semaphore(%arg11 : memref<!tpu.dma_semaphore, #tpu.memory_space<semaphore_mem>>)
    %dma_wait3A_252 = arith.constant 1 : i32
    %dma_wait3A_253 = arith.constant 0 : i32
    %dma_wait3A_254 = tpu.memref_slice %arg8[%dma_wait3A_252, %dma_wait3A_253] : memref<2x4096xf32, #tpu.memory_space<vmem>> -> memref<1x4096xf32, #tpu.memory_space<vmem>>
    %dma_wait3A_255 = tpu.memref_squeeze %dma_wait3A_254 : memref<1x4096xf32, #tpu.memory_space<vmem>> -> memref<4096xf32, #tpu.memory_space<vmem>>
    %dma_wait3A_256 = arith.constant 4096 : i32
    %dma_wait3A_257 = tpu.memref_slice %arg2[%add3A_205, %dma_wait3A_256] : memref<64x16384xf32, #tpu.memory_space<hbm>> -> memref<1x4096xf32, #tpu.memory_space<hbm>>
    %dma_wait3A_258 = tpu.memref_squeeze %dma_wait3A_257 : memref<1x4096xf32, #tpu.memory_space<hbm>> -> memref<4096xf32, #tpu.memory_space<hbm>>
    %dma_wait3A_259 = arith.constant 0 : i32
    %dma_wait3A_260 = tpu.memref_slice %arg8[%dma_wait3A_252, %dma_wait3A_259] : memref<2x4096xf32, #tpu.memory_space<vmem>> -> memref<1x4096xf32, #tpu.memory_space<vmem>>
    %dma_wait3A_261 = tpu.memref_squeeze %dma_wait3A_260 : memref<1x4096xf32, #tpu.memory_space<vmem>> -> memref<4096xf32, #tpu.memory_space<vmem>>
    %dma_wait3A_262 = arith.constant 4096 : i32
    %dma_wait3A_263 = tpu.memref_slice %arg2[%add3A_205, %dma_wait3A_262] : memref<64x16384xf32, #tpu.memory_space<hbm>> -> memref<1x4096xf32, #tpu.memory_space<hbm>>
    %dma_wait3A_264 = tpu.memref_squeeze %dma_wait3A_263 : memref<1x4096xf32, #tpu.memory_space<hbm>> -> memref<4096xf32, #tpu.memory_space<hbm>>
    tpu.wait_dma2 semaphore(%arg11 : memref<!tpu.dma_semaphore, #tpu.memory_space<semaphore_mem>>) src(%dma_wait3A_264 : memref<4096xf32, #tpu.memory_space<hbm>>) dst(%dma_wait3A_261 : memref<4096xf32, #tpu.memory_space<vmem>>)
    %parallel_loop3A_265 = arith.constant 0 : i32
    %parallel_loop3A_266 = arith.constant 256 : i32
    %parallel_loop3A_267 = arith.constant 1 : i32
    %parallel_loop3A_268 = arith.constant 0 : i32
    %parallel_loop3A_269 = scf.for %parallel_loop3A_322 = %parallel_loop3A_265 to %parallel_loop3A_266 step %parallel_loop3A_267 iter_args(%parallel_loop3A_323 = %parallel_loop3A_236) -> (vector<16xf32>)  : i32 {
      %parallel_loop3A_324 = arith.constant 16 : i32
      %parallel_loop3A_325 = arith.muli %parallel_loop3A_322, %parallel_loop3A_324 : i32
      %parallel_loop3A_326 = arith.constant 4096 : i32
      %parallel_loop3A_327 = arith.addi %parallel_loop3A_326, %parallel_loop3A_325 : i32
      %parallel_loop3A_328 = arith.index_cast %parallel_loop3A_327 : i32 to index
      %parallel_loop3A_329 = tpu.vector_load %arg6[%parallel_loop3A_328] {strides = array<i32>} : memref<16384xi32, #tpu.memory_space<vmem>>, vector<16xi32>,
      %parallel_loop3A_330 = arith.constant 0 : i32
      %parallel_loop3A_331 = tpu.memref_slice %arg7[%parallel_loop3A_268, %parallel_loop3A_330] : memref<1x100000xf32, #tpu.memory_space<vmem>> -> memref<1x100000xf32, #tpu.memory_space<vmem>>
      %parallel_loop3A_332 = tpu.memref_squeeze %parallel_loop3A_331 : memref<1x100000xf32, #tpu.memory_space<vmem>> -> memref<100000xf32, #tpu.memory_space<vmem>>
      %parallel_loop3A_333 = tpu.vector_load_idx %parallel_loop3A_332[%parallel_loop3A_329] : memref<100000xf32, #tpu.memory_space<vmem>>[vector<16xi32>], vector<16xf32>,
      %parallel_loop3A_334 = arith.constant 1 : i32
      %parallel_loop3A_335 = arith.index_cast %parallel_loop3A_334 : i32 to index
      %parallel_loop3A_336 = arith.index_cast %parallel_loop3A_325 : i32 to index
      %parallel_loop3A_337 = tpu.vector_load %arg8[%parallel_loop3A_335, %parallel_loop3A_336] {strides = array<i32>} : memref<2x4096xf32, #tpu.memory_space<vmem>>, vector<16xf32>,
      %parallel_loop3A_338 = arith.subf %parallel_loop3A_337, %parallel_loop3A_333 : vector<16xf32>
      %parallel_loop3A_339 = arith.mulf %parallel_loop3A_338, %parallel_loop3A_338 : vector<16xf32>
      %parallel_loop3A_340 = arith.addf %parallel_loop3A_323, %parallel_loop3A_339 : vector<16xf32>
      scf.yield %parallel_loop3A_340 : vector<16xf32>
    } {sc.loop_unroll_factor = 8 : i64, sc.parallel_access}
    %add3A_270 = arith.constant 1 : i32
    %add3A_271 = arith.addi %mul3A_2, %add3A_270 : i32
    %dma_start3A_272 = arith.constant 1 : i32
    %dma_start3A_273 = arith.constant 0 : i32
    %dma_start3A_274 = tpu.memref_slice %arg8[%dma_start3A_272, %dma_start3A_273] : memref<2x4096xf32, #tpu.memory_space<vmem>> -> memref<1x4096xf32, #tpu.memory_space<vmem>>
    %dma_start3A_275 = tpu.memref_squeeze %dma_start3A_274 : memref<1x4096xf32, #tpu.memory_space<vmem>> -> memref<4096xf32, #tpu.memory_space<vmem>>
    %dma_start3A_276 = arith.constant 12288 : i32
    %dma_start3A_277 = tpu.memref_slice %arg2[%add3A_271, %dma_start3A_276] : memref<64x16384xf32, #tpu.memory_space<hbm>> -> memref<1x4096xf32, #tpu.memory_space<hbm>>
    %dma_start3A_278 = tpu.memref_squeeze %dma_start3A_277 : memref<1x4096xf32, #tpu.memory_space<hbm>> -> memref<4096xf32, #tpu.memory_space<hbm>>
    %dma_start3A_279 = arith.constant 0 : i32
    %dma_start3A_280 = tpu.memref_slice %arg8[%dma_start3A_272, %dma_start3A_279] : memref<2x4096xf32, #tpu.memory_space<vmem>> -> memref<1x4096xf32, #tpu.memory_space<vmem>>
    %dma_start3A_281 = tpu.memref_squeeze %dma_start3A_280 : memref<1x4096xf32, #tpu.memory_space<vmem>> -> memref<4096xf32, #tpu.memory_space<vmem>>
    %dma_start3A_282 = arith.constant 12288 : i32
    %dma_start3A_283 = tpu.memref_slice %arg2[%add3A_271, %dma_start3A_282] : memref<64x16384xf32, #tpu.memory_space<hbm>> -> memref<1x4096xf32, #tpu.memory_space<hbm>>
    %dma_start3A_284 = tpu.memref_squeeze %dma_start3A_283 : memref<1x4096xf32, #tpu.memory_space<hbm>> -> memref<4096xf32, #tpu.memory_space<hbm>>
    tpu.enqueue_dma source(%dma_start3A_284 : memref<4096xf32, #tpu.memory_space<hbm>>) target(%dma_start3A_281 : memref<4096xf32, #tpu.memory_space<vmem>>) target_semaphore(%arg11 : memref<!tpu.dma_semaphore, #tpu.memory_space<semaphore_mem>>)
    %dma_wait3A_285 = arith.constant 0 : i32
    %dma_wait3A_286 = arith.constant 0 : i32
    %dma_wait3A_287 = tpu.memref_slice %arg8[%dma_wait3A_285, %dma_wait3A_286] : memref<2x4096xf32, #tpu.memory_space<vmem>> -> memref<1x4096xf32, #tpu.memory_space<vmem>>
    %dma_wait3A_288 = tpu.memref_squeeze %dma_wait3A_287 : memref<1x4096xf32, #tpu.memory_space<vmem>> -> memref<4096xf32, #tpu.memory_space<vmem>>
    %dma_wait3A_289 = arith.constant 8192 : i32
    %dma_wait3A_290 = tpu.memref_slice %arg2[%add3A_238, %dma_wait3A_289] : memref<64x16384xf32, #tpu.memory_space<hbm>> -> memref<1x4096xf32, #tpu.memory_space<hbm>>
    %dma_wait3A_291 = tpu.memref_squeeze %dma_wait3A_290 : memref<1x4096xf32, #tpu.memory_space<hbm>> -> memref<4096xf32, #tpu.memory_space<hbm>>
    %dma_wait3A_292 = arith.constant 0 : i32
    %dma_wait3A_293 = tpu.memref_slice %arg8[%dma_wait3A_285, %dma_wait3A_292] : memref<2x4096xf32, #tpu.memory_space<vmem>> -> memref<1x4096xf32, #tpu.memory_space<vmem>>
    %dma_wait3A_294 = tpu.memref_squeeze %dma_wait3A_293 : memref<1x4096xf32, #tpu.memory_space<vmem>> -> memref<4096xf32, #tpu.memory_space<vmem>>
    %dma_wait3A_295 = arith.constant 8192 : i32
    %dma_wait3A_296 = tpu.memref_slice %arg2[%add3A_238, %dma_wait3A_295] : memref<64x16384xf32, #tpu.memory_space<hbm>> -> memref<1x4096xf32, #tpu.memory_space<hbm>>
    %dma_wait3A_297 = tpu.memref_squeeze %dma_wait3A_296 : memref<1x4096xf32, #tpu.memory_space<hbm>> -> memref<4096xf32, #tpu.memory_space<hbm>>
    tpu.wait_dma2 semaphore(%arg11 : memref<!tpu.dma_semaphore, #tpu.memory_space<semaphore_mem>>) src(%dma_wait3A_297 : memref<4096xf32, #tpu.memory_space<hbm>>) dst(%dma_wait3A_294 : memref<4096xf32, #tpu.memory_space<vmem>>)
    %parallel_loop3A_298 = arith.constant 0 : i32
    %parallel_loop3A_299 = arith.constant 256 : i32
    %parallel_loop3A_300 = arith.constant 1 : i32
    %parallel_loop3A_301 = arith.constant 0 : i32
    %parallel_loop3A_302 = scf.for %parallel_loop3A_322 = %parallel_loop3A_298 to %parallel_loop3A_299 step %parallel_loop3A_300 iter_args(%parallel_loop3A_323 = %parallel_loop3A_269) -> (vector<16xf32>)  : i32 {
      %parallel_loop3A_324 = arith.constant 16 : i32
      %parallel_loop3A_325 = arith.muli %parallel_loop3A_322, %parallel_loop3A_324 : i32
      %parallel_loop3A_326 = arith.constant 8192 : i32
      %parallel_loop3A_327 = arith.addi %parallel_loop3A_326, %parallel_loop3A_325 : i32
      %parallel_loop3A_328 = arith.index_cast %parallel_loop3A_327 : i32 to index
      %parallel_loop3A_329 = tpu.vector_load %arg6[%parallel_loop3A_328] {strides = array<i32>} : memref<16384xi32, #tpu.memory_space<vmem>>, vector<16xi32>,
      %parallel_loop3A_330 = arith.constant 0 : i32
      %parallel_loop3A_331 = tpu.memref_slice %arg7[%parallel_loop3A_301, %parallel_loop3A_330] : memref<1x100000xf32, #tpu.memory_space<vmem>> -> memref<1x100000xf32, #tpu.memory_space<vmem>>
      %parallel_loop3A_332 = tpu.memref_squeeze %parallel_loop3A_331 : memref<1x100000xf32, #tpu.memory_space<vmem>> -> memref<100000xf32, #tpu.memory_space<vmem>>
      %parallel_loop3A_333 = tpu.vector_load_idx %parallel_loop3A_332[%parallel_loop3A_329] : memref<100000xf32, #tpu.memory_space<vmem>>[vector<16xi32>], vector<16xf32>,
      %parallel_loop3A_334 = arith.constant 0 : i32
      %parallel_loop3A_335 = arith.index_cast %parallel_loop3A_334 : i32 to index
      %parallel_loop3A_336 = arith.index_cast %parallel_loop3A_325 : i32 to index
      %parallel_loop3A_337 = tpu.vector_load %arg8[%parallel_loop3A_335, %parallel_loop3A_336] {strides = array<i32>} : memref<2x4096xf32, #tpu.memory_space<vmem>>, vector<16xf32>,
      %parallel_loop3A_338 = arith.subf %parallel_loop3A_337, %parallel_loop3A_333 : vector<16xf32>
      %parallel_loop3A_339 = arith.mulf %parallel_loop3A_338, %parallel_loop3A_338 : vector<16xf32>
      %parallel_loop3A_340 = arith.addf %parallel_loop3A_323, %parallel_loop3A_339 : vector<16xf32>
      scf.yield %parallel_loop3A_340 : vector<16xf32>
    } {sc.loop_unroll_factor = 8 : i64, sc.parallel_access}
    %dma_wait3A_303 = arith.constant 1 : i32
    %dma_wait3A_304 = arith.constant 0 : i32
    %dma_wait3A_305 = tpu.memref_slice %arg8[%dma_wait3A_303, %dma_wait3A_304] : memref<2x4096xf32, #tpu.memory_space<vmem>> -> memref<1x4096xf32, #tpu.memory_space<vmem>>
    %dma_wait3A_306 = tpu.memref_squeeze %dma_wait3A_305 : memref<1x4096xf32, #tpu.memory_space<vmem>> -> memref<4096xf32, #tpu.memory_space<vmem>>
    %dma_wait3A_307 = arith.constant 12288 : i32
    %dma_wait3A_308 = tpu.memref_slice %arg2[%add3A_271, %dma_wait3A_307] : memref<64x16384xf32, #tpu.memory_space<hbm>> -> memref<1x4096xf32, #tpu.memory_space<hbm>>
    %dma_wait3A_309 = tpu.memref_squeeze %dma_wait3A_308 : memref<1x4096xf32, #tpu.memory_space<hbm>> -> memref<4096xf32, #tpu.memory_space<hbm>>
    %dma_wait3A_310 = arith.constant 0 : i32
    %dma_wait3A_311 = tpu.memref_slice %arg8[%dma_wait3A_303, %dma_wait3A_310] : memref<2x4096xf32, #tpu.memory_space<vmem>> -> memref<1x4096xf32, #tpu.memory_space<vmem>>
    %dma_wait3A_312 = tpu.memref_squeeze %dma_wait3A_311 : memref<1x4096xf32, #tpu.memory_space<vmem>> -> memref<4096xf32, #tpu.memory_space<vmem>>
    %dma_wait3A_313 = arith.constant 12288 : i32
    %dma_wait3A_314 = tpu.memref_slice %arg2[%add3A_271, %dma_wait3A_313] : memref<64x16384xf32, #tpu.memory_space<hbm>> -> memref<1x4096xf32, #tpu.memory_space<hbm>>
    %dma_wait3A_315 = tpu.memref_squeeze %dma_wait3A_314 : memref<1x4096xf32, #tpu.memory_space<hbm>> -> memref<4096xf32, #tpu.memory_space<hbm>>
    tpu.wait_dma2 semaphore(%arg11 : memref<!tpu.dma_semaphore, #tpu.memory_space<semaphore_mem>>) src(%dma_wait3A_315 : memref<4096xf32, #tpu.memory_space<hbm>>) dst(%dma_wait3A_312 : memref<4096xf32, #tpu.memory_space<vmem>>)
    %parallel_loop3A_316 = arith.constant 0 : i32
    %parallel_loop3A_317 = arith.constant 256 : i32
    %parallel_loop3A_318 = arith.constant 1 : i32
    %parallel_loop3A_319 = arith.constant 0 : i32
    %parallel_loop3A_320 = scf.for %parallel_loop3A_322 = %parallel_loop3A_316 to %parallel_loop3A_317 step %parallel_loop3A_318 iter_args(%parallel_loop3A_323 = %parallel_loop3A_302) -> (vector<16xf32>)  : i32 {
      %parallel_loop3A_324 = arith.constant 16 : i32
      %parallel_loop3A_325 = arith.muli %parallel_loop3A_322, %parallel_loop3A_324 : i32
      %parallel_loop3A_326 = arith.constant 12288 : i32
      %parallel_loop3A_327 = arith.addi %parallel_loop3A_326, %parallel_loop3A_325 : i32
      %parallel_loop3A_328 = arith.index_cast %parallel_loop3A_327 : i32 to index
      %parallel_loop3A_329 = tpu.vector_load %arg6[%parallel_loop3A_328] {strides = array<i32>} : memref<16384xi32, #tpu.memory_space<vmem>>, vector<16xi32>,
      %parallel_loop3A_330 = arith.constant 0 : i32
      %parallel_loop3A_331 = tpu.memref_slice %arg7[%parallel_loop3A_319, %parallel_loop3A_330] : memref<1x100000xf32, #tpu.memory_space<vmem>> -> memref<1x100000xf32, #tpu.memory_space<vmem>>
      %parallel_loop3A_332 = tpu.memref_squeeze %parallel_loop3A_331 : memref<1x100000xf32, #tpu.memory_space<vmem>> -> memref<100000xf32, #tpu.memory_space<vmem>>
      %parallel_loop3A_333 = tpu.vector_load_idx %parallel_loop3A_332[%parallel_loop3A_329] : memref<100000xf32, #tpu.memory_space<vmem>>[vector<16xi32>], vector<16xf32>,
      %parallel_loop3A_334 = arith.constant 1 : i32
      %parallel_loop3A_335 = arith.index_cast %parallel_loop3A_334 : i32 to index
      %parallel_loop3A_336 = arith.index_cast %parallel_loop3A_325 : i32 to index
      %parallel_loop3A_337 = tpu.vector_load %arg8[%parallel_loop3A_335, %parallel_loop3A_336] {strides = array<i32>} : memref<2x4096xf32, #tpu.memory_space<vmem>>, vector<16xf32>,
      %parallel_loop3A_338 = arith.subf %parallel_loop3A_337, %parallel_loop3A_333 : vector<16xf32>
      %parallel_loop3A_339 = arith.mulf %parallel_loop3A_338, %parallel_loop3A_338 : vector<16xf32>
      %parallel_loop3A_340 = arith.addf %parallel_loop3A_323, %parallel_loop3A_339 : vector<16xf32>
      scf.yield %parallel_loop3A_340 : vector<16xf32>
    } {sc.loop_unroll_factor = 8 : i64, sc.parallel_access}
    %swap3A = arith.constant 0 : index
    %swap3A_321 = tpu.vector_load %arg9[%swap3A] {strides = array<i32>} : memref<16xf32, #tpu.memory_space<vmem>>, vector<16xf32>,
    tpu.vector_store %arg9[%swap3A], %parallel_loop3A_320 {strides = array<i32>} : memref<16xf32, #tpu.memory_space<vmem>>, vector<16xf32>,
    "tpu.region"() ({
      %run_scoped3A = tpu.sem_alloc : memref<!tpu.dma_semaphore, #tpu.memory_space<semaphore_mem>>
      %dma_start3A_322 = arith.constant 0 : i32
      %dma_start3A_323 = tpu.memref_slice %arg5[%add3A, %dma_start3A_322] : memref<32x16xf32, #tpu.memory_space<hbm>> -> memref<1x16xf32, #tpu.memory_space<hbm>>
      %dma_start3A_324 = tpu.memref_squeeze %dma_start3A_323 : memref<1x16xf32, #tpu.memory_space<hbm>> -> memref<16xf32, #tpu.memory_space<hbm>>
      %dma_start3A_325 = arith.constant 0 : i32
      %dma_start3A_326 = tpu.memref_slice %arg5[%add3A, %dma_start3A_325] : memref<32x16xf32, #tpu.memory_space<hbm>> -> memref<1x16xf32, #tpu.memory_space<hbm>>
      %dma_start3A_327 = tpu.memref_squeeze %dma_start3A_326 : memref<1x16xf32, #tpu.memory_space<hbm>> -> memref<16xf32, #tpu.memory_space<hbm>>
      tpu.enqueue_dma source(%arg9 : memref<16xf32, #tpu.memory_space<vmem>>) target(%dma_start3A_327 : memref<16xf32, #tpu.memory_space<hbm>>) target_semaphore(%run_scoped3A : memref<!tpu.dma_semaphore, #tpu.memory_space<semaphore_mem>>)
      %dma_wait3A_328 = arith.constant 0 : i32
      %dma_wait3A_329 = tpu.memref_slice %arg5[%add3A, %dma_wait3A_328] : memref<32x16xf32, #tpu.memory_space<hbm>> -> memref<1x16xf32, #tpu.memory_space<hbm>>
      %dma_wait3A_330 = tpu.memref_squeeze %dma_wait3A_329 : memref<1x16xf32, #tpu.memory_space<hbm>> -> memref<16xf32, #tpu.memory_space<hbm>>
      %dma_wait3A_331 = arith.constant 0 : i32
      %dma_wait3A_332 = tpu.memref_slice %arg5[%add3A, %dma_wait3A_331] : memref<32x16xf32, #tpu.memory_space<hbm>> -> memref<1x16xf32, #tpu.memory_space<hbm>>
      %dma_wait3A_333 = tpu.memref_squeeze %dma_wait3A_332 : memref<1x16xf32, #tpu.memory_space<hbm>> -> memref<16xf32, #tpu.memory_space<hbm>>
      tpu.wait_dma2 semaphore(%run_scoped3A : memref<!tpu.dma_semaphore, #tpu.memory_space<semaphore_mem>>) src(%arg9 : memref<16xf32, #tpu.memory_space<vmem>>) dst(%dma_wait3A_333 : memref<16xf32, #tpu.memory_space<hbm>>)
      tpu.yield
    }) : () -> ()
    return
  }
}

</mosaic_0001>

<sc_bundles>
// kernel: kernel.3.cloned.1.call-start
scs
__scs_entry_jumppad:
0x0: {  	(pc) =	sbr.rel $0x88, $3  }
0x1: {  	(tag) =	ssettag $0x0;
	lr =	simm.s32 $0x1  }
0x2: {  	[smem:$0x3F9E] =	sst lr;
	_ =	strace $0xD0000000  }
0x3: {  	_ = 	snop  }
0x4: {  	_ = 	snop  }
0x5: {  	_ = 	snop  }
0x6: {  	_ = 	snop  }
0x7: {  	_ = 	snop  }
__scs_overlays_trampoline_lowered:
0x8: {  	[smem:$0x3FAD] =	sst s0  }
0x9: {  	[smem:$0x3FAE] =	sst s1  }
0xa: {  	[smem:$0x3FAF] =	sst s2  }
0xb: {  	[smem:$0x3FB0] =	sst s3  }
0xc: {  	[smem:$0x3FB1] =	sst s4  }
0xd: {  	[smem:$0x3FB2] =	sst s5  }
0xe: {  	[smem:$0x3FB3] =	sst s6  }
0xf: {  	[smem:$0x3FB4] =	sst s7  }
0x10: {  	[smem:$0x3FB5] =	sst s8  }
0x11: {  	[smem:$0x3FB6] =	sst s9;
	s0 =	simm.s32 @!p0 $0x0  }
0x12: {  	s1 =	sld [smem:$0x3F9C];
	s0 =	simm.s32 @p0 $0x1  }
0x13: {  	[smem:$0x3FB7] =	sst s0;
	s0 =	simm.s32 @!p1 $0x0  }
0x14: {  	s2 =	sld [smem:$0x3F9B];
	s0 =	simm.s32 @p1 $0x1  }
0x15: {  	[smem:$0x3FB8] =	sst s0;
	s0 =	simm.s32 @!p2 $0x0  }
0x16: {  	s3 =	sld [smem:$0x3FDB];
	s0 =	simm.s32 @p2 $0x1  }
0x17: {  	s4 =	simm.s32 $0x1BF5;
	[smem:$0x3FBA] =	sst s0  }
0x18: {  	s0 =	sld [smem:$0x3F9D];
	_ =	swait.ge [sflag:s4], $0x0  }
0x19: {  	s7 =	sld [smem:$0x3F9E]  }
0x1a: {  	s8 =	sadd.s32 $0xFFFFE003, lr  }
0x1b: {  	s9 =	sadd.s32 $0xFFFFFEF7, lr;
	s5 =	simm.s32 $0xFFFFFFFF;
	p2 =	slt.u32 s8, $0xFFFFF086  }
0x1c: {  	p1 =	slt.u32 s9, $0xF7A;
	s5 =	simm.s32 @!p2 $0x0  }
0x1d: {  	s5 =	simm.s32 @p1 $0x1;
	p0 =	seq.s32 s7, s2  }
0x1e: {  	s7 =	smul.u32 @!p0 $0xF7A, s2;
	p2 =	seq.s32 @!p0 s5, $0x0  }
0x1f: {  	s9 =	smul.u32 $0xF7A, s1;
	s8 =	simm.s32 @!p0 $0x1BF5;
	p2 =	por !p2, p0  }
0x20: {  	[sflag:s8] =	ssyncset.s32 @!p0 $0xFFFFF086;
	s6 =	sadd.s32 @!p0 s3, s7;
	s7 =	simm.s32 @!p0 $0x108  }
0x21: {  	s3 =	sadd.s32 s3, s9;
	s6 =	sadd.s32 @!p0 $0x88, s6;
	s7 =	simm.s32 @p2 $0x1082  }
0x22: {  	[simem:s7], [sflag:s8] =	dma.local @!p0 [hbm:s6], $0xF7A  }
0x23: {  	s9 =	sor.u32 $0xD0000000, s2;
	s6 =	simm.s32 $0x108;
	_ =	swait.ge @!p0 [sflag:s8], $0x0  }
0x24: {  	s3 =	sadd.s32 $0x88, s3;
	s6 =	simm.s32 @!p1 $0x1082;
	[sflag:s4] =	ssyncset.s32 $0xFFFFF086  }
0x25: {  	[simem:s6], [sflag:s4] =	dma.local [hbm:s3], $0xF7A  }
0x26: {  	[smem:$0x3F9E] =	sst s1;
	(tag) =	ssettag s2;
	_ =	strace s9  }
0x27: {  	s1 =	sld [smem:$0x3FAE]  }
0x28: {  	s2 =	sld [smem:$0x3FAF]  }
0x29: {  	s4 =	sld [smem:$0x3FB1]  }
0x2a: {  	p0 =	seq.s32 s5, $0x0;
	s5 =	sld [smem:$0x3FB2]  }
0x2b: {  	s6 =	sld [smem:$0x3FB3]  }
0x2c: {  	s7 =	sld [smem:$0x3FB4]  }
0x2d: {  	s3 =	simm.s32 $0x108;
	s8 =	sld [smem:$0x3FB5]  }
0x2e: {  	s3 =	simm.s32 @!p0 $0x1082;
	s9 =	sld [smem:$0x3FB6]  }
0x2f: {  	lr =	sadd.s32 s0, s3;
	s0 =	sld [smem:$0x3FAD]  }
0x30: {  	s3 =	sld [smem:$0x3FB0]  }
0x31: {  	[smem:$0x3FB9] =	sst s10  }
0x32: {  	s10 =	sld [smem:$0x3FB7];
	_ =	sdelay $0x3  }
0x33: {  	p0 =	seq.s32 s10, $0x1;
	s10 =	sld [smem:$0x3FB9];
	_ =	sdelay $0x3  }
0x34: {  	[smem:$0x3FB9] =	sst s10  }
0x35: {  	s10 =	sld [smem:$0x3FB8];
	_ =	sdelay $0x3  }
0x36: {  	p1 =	seq.s32 s10, $0x1;
	s10 =	sld [smem:$0x3FB9];
	_ =	sdelay $0x3  }
0x37: {  	[smem:$0x3FB9] =	sst s10  }
0x38: {  	s10 =	sld [smem:$0x3FBA]  }
0x39: {  	_ = 	snop;
	(pc) =	sbr.ind lr, $3  }
0x3a: {  	_ = 	snop  }
0x3b: {  	_ = 	snop  }
0x3c: {  	p2 =	seq.s32 s10, $0x1;
	s10 =	sld [smem:$0x3FB9]  }
0x3d: {  	_ =	shalt  }
0x3e: {  	_ =	shalt  }
0x3f: {  	_ =	shalt  }
0x40: {  	_ =	shalt  }
0x41: {  	_ =	shalt  }
0x42: {  	_ =	shalt  }
0x43: {  	_ =	shalt  }
0x44: {  	_ =	shalt  }
0x45: {  	_ =	shalt  }
0x46: {  	_ =	shalt  }
0x47: {  	_ =	shalt  }
0x48: {  	_ =	shalt  }
0x49: {  	_ =	shalt  }
0x4a: {  	_ =	shalt  }
0x4b: {  	_ =	shalt  }
0x4c: {  	_ =	shalt  }
0x4d: {  	_ =	shalt  }
0x4e: {  	_ =	shalt  }
0x4f: {  	_ =	shalt  }
0x50: {  	_ =	shalt  }
0x51: {  	_ =	shalt  }
0x52: {  	_ =	shalt  }
0x53: {  	_ =	shalt  }
0x54: {  	_ =	shalt  }
0x55: {  	_ =	shalt  }
0x56: {  	_ =	shalt  }
0x57: {  	_ =	shalt  }
0x58: {  	_ =	shalt  }
0x59: {  	_ =	shalt  }
0x5a: {  	_ =	shalt  }
0x5b: {  	_ =	shalt  }
0x5c: {  	_ =	shalt  }
0x5d: {  	_ =	shalt  }
0x5e: {  	_ =	shalt  }
0x5f: {  	_ =	shalt  }
0x60: {  	_ =	shalt  }
0x61: {  	_ =	shalt  }
0x62: {  	_ =	shalt  }
0x63: {  	_ =	shalt  }
0x64: {  	_ =	shalt  }
0x65: {  	_ =	shalt  }
0x66: {  	_ =	shalt  }
0x67: {  	_ =	shalt  }
0x68: {  	_ =	shalt  }
0x69: {  	_ =	shalt  }
0x6a: {  	_ =	shalt  }
0x6b: {  	_ =	shalt  }
0x6c: {  	_ =	shalt  }
0x6d: {  	_ =	shalt  }
0x6e: {  	_ =	shalt  }
0x6f: {  	_ =	shalt  }
0x70: {  	_ =	shalt  }
0x71: {  	_ =	shalt  }
0x72: {  	_ =	shalt  }
0x73: {  	_ =	shalt  }
0x74: {  	_ =	shalt  }
0x75: {  	_ =	shalt  }
0x76: {  	_ =	shalt  }
0x77: {  	_ =	shalt  }
0x78: {  	_ =	shalt  }
0x79: {  	_ =	shalt  }
0x7a: {  	_ =	shalt  }
0x7b: {  	_ =	shalt  }
0x7c: {  	_ =	shalt  }
0x7d: {  	_ =	shalt  }
0x7e: {  	_ =	shalt  }
0x7f: {  	_ =	shalt  }
0x80: {  	_ =	shalt  }
0x81: {  	_ =	shalt  }
0x82: {  	_ =	shalt  }
0x83: {  	_ =	shalt  }
0x84: {  	_ =	shalt  }
0x85: {  	_ =	shalt  }
0x86: {  	_ =	shalt  }
0x87: {  	_ =	shalt  }
.Lfunc_end0:
.L_simem_size_0:
called_computation_lowered:
.L_overlay_start_0:
0x88: {  	s2 =	sld [smem:$0x3FD9]  }
0x89: {  	s3 =	sld [smem:$0x3FFE];
	_ =	sdelay $0x1  }
0x8a: {  	s1 =	srdreg.scid  }
0x8b: {  	s0 =	sand.u32 $0x1, s1  }
0x8c: {  	s17 =	sshll.u32 s0, $0xA;
	s2 =	sadd.s32 s3, s2  }
0x8d: {  	s2 =	sadd.s32 s2, s17  }
0x8e: {  	[smem:$0x3FC5] =	sst s2  }
0x8f: {  	_ = 	snop  }
0x90: {  	s2 =	sld [smem:$0x3FC9]  }
0x91: {  	s18 =	sld [smem:$0x3FC8]  }
0x92: {  	s4 =	sld [smem:$0x3FC7];
	(tm) =	ssettm $0x1  }
0x93: {  	s5 =	sld [smem:$0x3FFB];
	_ =	sdelay $0x3  }
0x94: {  	_ =	strace s5  }
0x95: {  	s5 =	sld [smem:$0x3FFC];
	_ =	sdelay $0x3  }
0x96: {  	_ =	strace s5  }
0x97: {  	s5 =	sld [smem:$0x3FFD];
	_ =	sdelay $0x3  }
0x98: {  	_ =	strace s5  }
0x99: {  	_ =	strace $0x8FFFFFFF  }
0x9a: {  	s19 =	sld [smem:$0x3FDB];
	_ =	sdelay $0x1  }
0x9b: {  	s6 =	simm.s32 $_scs_section_size  }
0x9c: {  	s7 =	simm.s32 $_size__tile_overlayer_lowered;
	s8 =	simm.s32 $_tile_overlayer_lowered  }
0x9d: {  	s22 =	simm.s32 $0x1BFF;
	s21 =	sshll.u32 s8, $0x1;
	s5 =	sadd.s32 s6, s19  }
0x9e: {  	s9 =	simm.s32 $0x0;
	s20 =	sshll.u32 s7, $0x1;
	s7 =	sadd.s32 s21, s5  }
0x9f: {  	[timem:s9], [sflag:s22] =	dma.local [hbm:s7], s20  }
0xa0: {  	_ =	swait.ge [sflag:s22], s20  }
0xa1: {  	s6 =	ssub.s32 $0x0, s20;
	[sflag:s22] =	ssyncset.done $0x0  }
0xa2: {  	[sflag:s22] =	ssyncadd.s32 s6;
	_ =	sdelay $0x1  }
0xa3: {  	s23 =	simm.s32 $0x1B8B  }
0xa4: {  	_ =	swait.ge [sflag:s23], $0x1  }
0xa5: {  	[sflag:s23] =	ssyncset.done $0x0  }
0xa6: {  	s25 =	simm.s32 $0x1B8E;
	s24 =	sld [smem:$0x3FFE];
	[sflag:s23] =	ssyncadd.s32 $0xFFFFFFFF  }
0xa7: {  	s26 =	simm.s32 $execute0_lowered;
	[smem:$0x3FD2] =	sst s25  }
0xa8: {  	s7 =	sshll.u32 s26, $0x1;
	_ =	strace $0x80000046;
	[dreg:$0x1] =	wrdreg $0xFFFFFFFF  }
0xa9: {  	s28 =	simm.s32 $_size_execute0_lowered;
	s5 =	sadd.s32 s5, s7;
	[dreg:$0x0] =	wrdreg $0x0  }
0xaa: {  	s7 =	sshll.u32 s28, $0x1;
	[dreg:$0x2] =	wrdreg s5  }
0xab: {  	[dreg:$0x3] =	wrdreg s7  }
0xac: {  	[dreg:$0x4] =	wrdreg $0xC0  }
0xad: {  	_ =	task [dreg:s9], $0x5FFFF  }
0xae: {  	[dreg:$0x1] =	wrdreg $0xFFFFFFFF  }
0xaf: {  	[dreg:$0x0] =	wrdreg $0x60  }
0xb0: {  	[dreg:$0x2] =	wrdreg s2  }
0xb1: {  	[dreg:$0x3] =	wrdreg s18  }
0xb2: {  	[dreg:$0x4] =	wrdreg s4  }
0xb3: {  	[dreg:$0x5] =	wrdreg s24  }
0xb4: {  	[dreg:$0x6] =	wrdreg $0x9  }
0xb5: {  	_ =	task.clear_ibuf [dreg:s9], $0x7FFFF;
	_ =	strace $0x90000046  }
0xb6: {  	s29 =	simm.s32 $0x9;
	_ =	strace $0x80000048  }
0xb7: {  	_ =	swait.ge [sflag:s29], $0x1  }
0xb8: {  	[sflag:s29] =	ssyncadd.s32 $0xFFFFFFFF  }
0xb9: {  	_ =	strace $0x90000048  }
0xba: {  	_ =	sfence  }
0xbb: {  	s30 =	sld [smem:$0x0];
	_ =	sdelay $0x2  }
0xbc: {  	s31 =	sshll.u32 s1, $0xD;
	s1 =	sshrl.u32 s1, $0x2  }
0xbd: {  	s3 =	sand.u32 $0x4000, s31;
	s1 =	sadd.s32 s1, s30  }
0xbe: {  	s0 =	sor.u32 s3, s0;
	s1 =	sshll.u32 s1, $0x11  }
0xbf: {  	s0 =	sor.u32 s1, s0  }
0xc0: {  	s0 =	sadd.s32 $0x8F2B, s0  }
0xc1: {  	[sflag:s0] =	ssyncadd.remote.s32 $0x1  }
0xc2: {  	_ =	sfence.sel $0xFFFF  }
0xc3: {  	[dreg:$0x0] =	wrdreg $0xFFFFFFFF;
	(pc) =	sbr.abs _section_cstart, $3  }
0xc4: {  	[dreg:$0x1] =	wrdreg $0xFFFFFFFF  }
0xc5: {  	_ =	task.clear_ibuf [dreg:s9], $0x2FFFF;
	_ =	strace $0x9FFFFFFF  }
0xc6: {  	(tm) =	ssettm $0x7FFFFFFF  }
0xc7: {  	_ =	shalt  }
tec
execute0_lowered:
.L_overlay_start_1:
0x0: {  	(tag) =	ssettag $0x1  }
0x1: {  	s10 =	rddreg [dreg:$0x0]  }
0x2: {  	s0 =	rddreg [dreg:$0x1]  }
0x3: {  	s1 =	srdreg.scid;
	s9 =	rddreg [dreg:$0x2]  }
0x4: {  	s12 =	rddreg [dreg:$0x3];
	s2 =	stileid.u32;
	s3 =	simm.s32 $0x0  }
0x5: {  	s21 =	simm.s32 $0x2;
	s4 =	sand.u32 $0x1, s1;
	s1 =	rddreg [dreg:$0x4]  }
0x6: {  	s22 =	simm.s32 $0x1E700;
	s23 =	simm.s32 $0x0;
	[smem:$0x7FF] =	sst s3  }
0x7: {  	s6 =	sshll.u32 s2, $0x8;
	s16 =	sadd.s32 $0x1000, s10;
	s17 =	sadd.s32 $0x2000, s10  }
0x8: {  	s19 =	sadd.s32 $0x3000, s10;
	s29 =	sshll.u32 s2, $0x4;
	s5 =	sshll.u32 s4, $0x4  }
0x9: {  	_ =	strace $0x80000047;
	s4 =	ssub.s32 $0x2, s4;
	s7 =	sand.u32 $0x300, s6  }
0xa: {  	s11 =	sor.u32 s2, s5;
	s25 =	sshrl.u32 s4, $0x1;
	s18 =	sor.u32 $0x80, s7  }
0xb: {  	s5 =	sshrl.u32 s11, $0x2;
	s15 =	ssub.s32 s4, s25;
	s30 =	sshll.u32 s11, $0x4  }
0xc: {  	s8 =	smul.u32 $0xC3800, s5;
	s13 =	sshll.u32 s5, $0x11;
	s31 =	sand.u32 $0x180, s30  }
0xd: {  	s15 =	smax.u32 s15, $0x1;
	s14 =	sor.u32 s7, s13;
	s13 =	sor.u32 s18, s13  }
0xe: {  	s6 =	sor.u32 s7, s8;
	s14 =	sshrl.u32 s14, $0x3;
	s20 =	sor.u32 s18, s8  }
0xf: {  	s13 =	sshrl.u32 s13, $0x3;
	s18 =	simm.s32 $0x4000;
	s26 =	sshrl.u32 s6, $0x3  }
0x10: {  	s5 =	sadd.s32 s10, s14;
	s6 =	sadd.s32 s14, s16;
	s7 =	sadd.s32 s14, s17  }
0x11: {  	s8 =	sadd.s32 s14, s19;
	s28 =	sshrl.u32 s20, $0x3;
	s10 =	sadd.s32 s10, s13  }
0x12: {  	s14 =	sand.u32 $0x70, s29;
	s11 =	sadd.s32 s13, s16;
	s16 =	simm.s32 $0x80  }
0x13: {  	s20 =	simm.s32 $0x1;
	s4 =	sadd.s32 s9, s26;
	s9 =	sadd.s32 s9, s28  }
0x14: {  	s14 =	sadd.s32 s12, s14;
	s12 =	sadd.s32 s13, s17;
	s13 =	sadd.s32 s13, s19  }
0x15: {  	s17 =	simm.s32 $0x400;
	s19 =	simm.s32 $0x3;
	s14 =	sadd.s32 s31, s14  }
.LBB2_1:
0x16: {  	[tilespmem:s18], [sflag:$0x1] =	stream.strided.gather [hbm4b:s4+s16], $0x18700, s17, s16, $0x38;
	[tilespmem:$0x1E780] =	vst v63  }
0x17: {  	_ = 	snop  }
0x18: {  	[tilespmem:s3], [sflag:$0x3] =	stream.linear.gather [hbm4b:s0+s3], $0x4000, $0x38;
	[tilespmem:$0x1E780] =	vst v63  }
0x19: {  	_ =	swait.ge [sflag:s19], $0x4000  }
0x1a: {  	s24 =	simm.s32 $0x1C700;
	s25 =	simm.s32 $0x80;
	[sflag:s19] =	ssyncset.done $0x0  }
0x1b: {  	s28 =	sadd.s32 $0x0, s5;
	s26 =	simm.s32 $0x1C800;
	[sflag:s19] =	ssyncadd.s32 $0xFFFFC000  }
.LBB2_2:
0x1c: {  	[tilespmem:s24], [sflag:$0x2] =	stream.linear.gather [hbm4b:s28+s3], $0x80, $0x38;
	[tilespmem:$0x1E780] =	vst v63  }
0x1d: {  	s28 =	smov.u32 s25;
	s24 =	smov.u32 s26;
	p0 =	sne.s32 s25, $0xF80  }
.Ltmp0:
0x1e: {  	s25 =	sadd.s32 $0x80, s25;
	(pc) =	sbr.rel @p0 .LBB2_2-.Ltmp0, $2  }
0x1f: {  	_ =	sdelay $0x2  }
0x20: {  	s26 =	sadd.s32 $0x100, s26;
	s28 =	sadd.s32 s28, s5  }
0x21: {  	[tilespmem:s24], [sflag:$0x2] =	stream.linear.gather [hbm4b:s28+s3], $0x80, $0x38;
	[tilespmem:$0x1E780] =	vst v63  }
0x22: {  	_ =	swait.ge [sflag:s20], $0x18700  }
0x23: {  	s24 =	simm.s32 $0x1C780;
	s25 =	simm.s32 $0x80;
	[sflag:s20] =	ssyncset.done $0x0  }
0x24: {  	s28 =	sadd.s32 $0x0, s6;
	s26 =	simm.s32 $0x1C880;
	[sflag:s20] =	ssyncadd.s32 $0xFFFE7900  }
.LBB2_4:
0x25: {  	[tilespmem:s24], [sflag:$0x2] =	stream.linear.gather [hbm4b:s28+s3], $0x80, $0x38;
	[tilespmem:$0x1E780] =	vst v63  }
0x26: {  	s28 =	smov.u32 s25;
	s24 =	smov.u32 s26;
	p0 =	sne.s32 s25, $0xF80  }
.Ltmp1:
0x27: {  	s25 =	sadd.s32 $0x80, s25;
	(pc) =	sbr.rel @p0 .LBB2_4-.Ltmp1, $2  }
0x28: {  	_ =	sdelay $0x2  }
0x29: {  	s26 =	sadd.s32 $0x100, s26;
	s28 =	sadd.s32 s28, s6  }
0x2a: {  	[tilespmem:s24], [sflag:$0x2] =	stream.linear.gather [hbm4b:s28+s3], $0x80, $0x38;
	[tilespmem:$0x1E780] =	vst v63  }
0x2b: {  	_ =	swait.ge [sflag:s21], $0x1000  }
0x2c: {  	[sflag:s21] =	ssyncset.done $0x0  }
0x2d: {  	s31 =	simm.s32 $0x40;
	[sflag:s21] =	ssyncadd.s32 $0xFFFFF000  }
0x2e: {  	v0 =	vld [tilespmem:s31+$0xFFFFFFC0]  }
0x2f: {  	v2 =	vld [tilespmem:s31+$0x30]  }
0x30: {  	v1 =	vld [tilespmem:s31+$0xFFFFFFD0]  }
0x31: {  	v4 =	vld [tilespmem:s31+$0x20]  }
0x32: {  	v3 =	vld [tilespmem:s31+$0xFFFFFFE0]  }
0x33: {  	v5 =	vld [tilespmem:s31+$0x10]  }
0x34: {  	v6 =	vld [tilespmem:s31+$0xFFFFFFF0]  }
0x35: {  	s24 =	simm.s32 $0x1C740;
	v7 =	vld [tilespmem:s31+$0x0]  }
0x36: {  	v8 =	vld [tilespmem:s24+$0xFFFFFFC0]  }
0x37: {  	v0 =	vld.idx.msk [tilespmem:v0+s18+$0x0], $0xffff  }
0x38: {  	v9 =	vld [tilespmem:s24+$0xFFFFFFD0]  }
0x39: {  	v1 =	vld.idx.msk [tilespmem:v1+s18+$0x0], $0xffff  }
0x3a: {  	v10 =	vld [tilespmem:s24+$0xFFFFFFE0]  }
0x3b: {  	v3 =	vld.idx.msk [tilespmem:v3+s18+$0x0], $0xffff  }
0x3c: {  	v6 =	vld.idx.msk [tilespmem:v6+s18+$0x0], $0xffff;
	v0 =	vsub.f32 v8, v0  }
0x3d: {  	v8 =	vld [tilespmem:s24+$0xFFFFFFF0]  }
0x3e: {  	v11 =	vld.idx.msk [tilespmem:v7+s18+$0x0], $0xffff;
	v1 =	vsub.f32 v9, v1;
	v7 =	vmul.f32 v0, v0  }
0x3f: {  	v12 =	vimm.f32 $0.0e+00;
	v9 =	vld [tilespmem:s24+$0x0]  }
0x40: {  	v10 =	vsub.f32 v10, v3;
	v0 =	vld.idx.msk [tilespmem:v5+s18+$0x0], $0xffff;
	v5 =	vadd.f32 v7, v12;
	v7 =	vmul.f32 v1, v1  }
0x41: {  	v3 =	vld [tilespmem:s24+$0x10]  }
0x42: {  	v1 =	vld.idx.msk [tilespmem:v4+s18+$0x0], $0xffff;
	v8 =	vsub.f32 v8, v6;
	v5 =	vadd.f32 v7, v5;
	v7 =	vmul.f32 v10, v10  }
0x43: {  	v4 =	vld [tilespmem:s24+$0x20]  }
0x44: {  	v2 =	vld.idx.msk [tilespmem:v2+s18+$0x0], $0xffff;
	v6 =	vadd.f32 v7, v5;
	v7 =	vmul.f32 v8, v8;
	v8 =	vsub.f32 v9, v11  }
0x45: {  	s25 =	simm.s32 $0x0;
	s26 =	simm.s32 $0xC0;
	v5 =	vld [tilespmem:s24+$0x30]  }
.LBB2_6:
0x46: {  	v9 =	vld [tilespmem:s26+$0xFFFFFFC0];
	s25 =	sadd.s32 $0x8, s25;
	v6 =	vadd.f32 v7, v6;
	v7 =	vmul.f32 v8, v8;
	v0 =	vsub.f32 v3, v0  }
0x47: {  	v10 =	vld [tilespmem:s26+$0x30];
	p0 =	slt.u32 s25, $0xF8  }
0x48: {  	v3 =	vld [tilespmem:s26+$0xFFFFFFD0];
	v6 =	vadd.f32 v7, v6;
	v0 =	vmul.f32 v0, v0;
	v1 =	vsub.f32 v4, v1  }
0x49: {  	v4 =	vld [tilespmem:s26+$0x20]  }
0x4a: {  	v7 =	vld [tilespmem:s26+$0xFFFFFFE0];
	v0 =	vadd.f32 v0, v6;
	v1 =	vmul.f32 v1, v1;
	v2 =	vsub.f32 v5, v2  }
0x4b: {  	v5 =	vld [tilespmem:s26+$0x10]  }
0x4c: {  	v6 =	vld [tilespmem:s26+$0xFFFFFFF0];
	v0 =	vadd.f32 v1, v0;
	v1 =	vmul.f32 v2, v2  }
0x4d: {  	v2 =	vld [tilespmem:s26+$0x0]  }
0x4e: {  	s24 =	sadd.s32 $0x100, s24;
	v8 =	vld.idx.msk [tilespmem:v9+s18+$0x0], $0xffff;
	v0 =	vadd.f32 v1, v0  }
0x4f: {  	v1 =	vld [tilespmem:s24+$0xFFFFFFC0]  }
0x50: {  	v3 =	vld.idx.msk [tilespmem:v3+s18+$0x0], $0xffff  }
0x51: {  	v9 =	vld [tilespmem:s24+$0xFFFFFFD0]  }
0x52: {  	v7 =	vld.idx.msk [tilespmem:v7+s18+$0x0], $0xffff  }
0x53: {  	v11 =	vld [tilespmem:s24+$0xFFFFFFE0]  }
0x54: {  	v1 =	vsub.f32 v1, v8;
	v6 =	vld.idx.msk [tilespmem:v6+s18+$0x0], $0xffff  }
0x55: {  	v8 =	vld [tilespmem:s24+$0xFFFFFFF0]  }
0x56: {  	v1 =	vmul.f32 v1, v1;
	v3 =	vsub.f32 v9, v3;
	v2 =	vld.idx.msk [tilespmem:v2+s18+$0x0], $0xffff  }
0x57: {  	v9 =	vld [tilespmem:s24+$0x0]  }
0x58: {  	v1 =	vadd.f32 v1, v0;
	v12 =	vmul.f32 v3, v3;
	v7 =	vsub.f32 v11, v7;
	v0 =	vld.idx.msk [tilespmem:v5+s18+$0x0], $0xffff  }
.Ltmp2:
0x59: {  	v3 =	vld [tilespmem:s24+$0x10];
	(pc) =	sbr.rel @p0 .LBB2_6-.Ltmp2, $4  }
0x5a: {  	v5 =	vadd.f32 v12, v1;
	v7 =	vmul.f32 v7, v7;
	v8 =	vsub.f32 v8, v6;
	v1 =	vld.idx.msk [tilespmem:v4+s18+$0x0], $0xffff  }
0x5b: {  	v4 =	vld [tilespmem:s24+$0x20]  }
0x5c: {  	v6 =	vadd.f32 v7, v5;
	v7 =	vmul.f32 v8, v8;
	v8 =	vsub.f32 v9, v2;
	v2 =	vld.idx.msk [tilespmem:v10+s18+$0x0], $0xffff  }
0x5d: {  	s26 =	sadd.s32 $0x80, s26;
	v5 =	vld [tilespmem:s24+$0x30]  }
0x5e: {  	v6 =	vadd.f32 v7, v6;
	v63 =	vmul.f32 v8, v8;
	v0 =	vsub.f32 v3, v0;
	_ =	sdelay $0x1  }
0x5f: {  	v3 =	vadd.f32 v63, v6;
	v0 =	vmul.f32 v0, v0;
	v1 =	vsub.f32 v4, v1;
	_ =	sdelay $0x1  }
0x60: {  	v0 =	vadd.f32 v0, v3;
	v1 =	vmul.f32 v1, v1;
	v2 =	vsub.f32 v5, v2;
	_ =	sdelay $0x1  }
0x61: {  	v0 =	vadd.f32 v1, v0;
	v1 =	vmul.f32 v2, v2  }
0x62: {  	s24 =	simm.s32 $0x1C700  }
0x63: {  	s25 =	simm.s32 $0x80;
	s28 =	sadd.s32 $0x0, s7;
	s26 =	simm.s32 $0x1C800;
	v0 =	vadd.f32 v1, v0  }
.LBB2_8:
0x64: {  	[tilespmem:s24], [sflag:$0x2] =	stream.linear.gather [hbm4b:s28+s3], $0x80, $0x38;
	[tilespmem:$0x1E780] =	vst v63  }
0x65: {  	s28 =	smov.u32 s25;
	s24 =	smov.u32 s26;
	p0 =	sne.s32 s25, $0xF80  }
.Ltmp3:
0x66: {  	s25 =	sadd.s32 $0x80, s25;
	(pc) =	sbr.rel @p0 .LBB2_8-.Ltmp3, $2  }
0x67: {  	_ =	sdelay $0x2  }
0x68: {  	s26 =	sadd.s32 $0x100, s26;
	s28 =	sadd.s32 s28, s7  }
0x69: {  	[tilespmem:s24], [sflag:$0x2] =	stream.linear.gather [hbm4b:s28+s3], $0x80, $0x38;
	[tilespmem:$0x1E780] =	vst v63  }
0x6a: {  	_ =	swait.ge [sflag:s21], $0x1000  }
0x6b: {  	[sflag:s21] =	ssyncset.done $0x0  }
0x6c: {  	s31 =	simm.s32 $0x1070;
	[sflag:s21] =	ssyncadd.s32 $0xFFFFF000  }
0x6d: {  	v1 =	vld [tilespmem:s31+$0xFFFFFF90]  }
0x6e: {  	v2 =	vld [tilespmem:s31+$0x0]  }
0x6f: {  	v3 =	vld [tilespmem:s31+$0xFFFFFFA0]  }
0x70: {  	v4 =	vld [tilespmem:s31+$0xFFFFFFF0]  }
0x71: {  	v5 =	vld [tilespmem:s31+$0xFFFFFFB0]  }
0x72: {  	v6 =	vld [tilespmem:s31+$0xFFFFFFE0]  }
0x73: {  	v7 =	vld [tilespmem:s31+$0xFFFFFFC0]  }
0x74: {  	s24 =	simm.s32 $0x1C7F0;
	v8 =	vld [tilespmem:s31+$0xFFFFFFD0]  }
0x75: {  	v9 =	vld [tilespmem:s24+$0xFFFFFF90]  }
0x76: {  	v1 =	vld.idx.msk [tilespmem:v1+s18+$0x0], $0xffff  }
0x77: {  	v10 =	vld [tilespmem:s24+$0xFFFFFFA0]  }
0x78: {  	v3 =	vld.idx.msk [tilespmem:v3+s18+$0x0], $0xffff  }
0x79: {  	v11 =	vld [tilespmem:s24+$0xFFFFFFB0]  }
0x7a: {  	v5 =	vld.idx.msk [tilespmem:v5+s18+$0x0], $0xffff  }
0x7b: {  	v7 =	vld.idx.msk [tilespmem:v7+s18+$0x0], $0xffff;
	v1 =	vsub.f32 v9, v1  }
0x7c: {  	v9 =	vld [tilespmem:s24+$0xFFFFFFC0]  }
0x7d: {  	v8 =	vld.idx.msk [tilespmem:v8+s18+$0x0], $0xffff;
	v3 =	vsub.f32 v10, v3;
	v12 =	vmul.f32 v1, v1  }
0x7e: {  	v10 =	vld [tilespmem:s24+$0xFFFFFFD0]  }
0x7f: {  	v5 =	vsub.f32 v11, v5;
	v1 =	vld.idx.msk [tilespmem:v6+s18+$0x0], $0xffff;
	v63 =	vmul.f32 v3, v3;
	v6 =	vadd.f32 v12, v0  }
0x80: {  	v3 =	vld [tilespmem:s24+$0xFFFFFFE0]  }
0x81: {  	v5 =	vmul.f32 v5, v5;
	v0 =	vld.idx.msk [tilespmem:v4+s18+$0x0], $0xffff;
	v7 =	vsub.f32 v9, v7;
	v6 =	vadd.f32 v63, v6  }
0x82: {  	v4 =	vld [tilespmem:s24+$0xFFFFFFF0]  }
0x83: {  	v2 =	vld.idx.msk [tilespmem:v2+s18+$0x0], $0xffff;
	v8 =	vsub.f32 v10, v8;
	v7 =	vmul.f32 v7, v7;
	v6 =	vadd.f32 v5, v6  }
0x84: {  	s25 =	simm.s32 $0x0;
	s26 =	simm.s32 $0x10F0;
	v5 =	vld [tilespmem:s24+$0x0]  }
.LBB2_10:
0x85: {  	v9 =	vld [tilespmem:s26+$0xFFFFFF90];
	s25 =	sadd.s32 $0x8, s25;
	v6 =	vadd.f32 v7, v6;
	v7 =	vmul.f32 v8, v8;
	v1 =	vsub.f32 v3, v1  }
0x86: {  	v10 =	vld [tilespmem:s26+$0x0];
	p0 =	slt.u32 s25, $0xF8  }
0x87: {  	v3 =	vld [tilespmem:s26+$0xFFFFFFA0];
	v6 =	vadd.f32 v7, v6;
	v1 =	vmul.f32 v1, v1;
	v0 =	vsub.f32 v4, v0  }
0x88: {  	v4 =	vld [tilespmem:s26+$0xFFFFFFF0]  }
0x89: {  	v7 =	vld [tilespmem:s26+$0xFFFFFFB0];
	v1 =	vadd.f32 v1, v6;
	v0 =	vmul.f32 v0, v0;
	v2 =	vsub.f32 v5, v2  }
0x8a: {  	v5 =	vld [tilespmem:s26+$0xFFFFFFE0]  }
0x8b: {  	v6 =	vld [tilespmem:s26+$0xFFFFFFC0];
	v0 =	vadd.f32 v0, v1;
	v1 =	vmul.f32 v2, v2  }
0x8c: {  	v2 =	vld [tilespmem:s26+$0xFFFFFFD0]  }
0x8d: {  	s24 =	sadd.s32 $0x100, s24;
	v8 =	vld.idx.msk [tilespmem:v9+s18+$0x0], $0xffff;
	v0 =	vadd.f32 v1, v0  }
0x8e: {  	v1 =	vld [tilespmem:s24+$0xFFFFFF90]  }
0x8f: {  	v3 =	vld.idx.msk [tilespmem:v3+s18+$0x0], $0xffff  }
0x90: {  	v9 =	vld [tilespmem:s24+$0xFFFFFFA0]  }
0x91: {  	v7 =	vld.idx.msk [tilespmem:v7+s18+$0x0], $0xffff  }
0x92: {  	v11 =	vld [tilespmem:s24+$0xFFFFFFB0]  }
0x93: {  	v1 =	vsub.f32 v1, v8;
	v6 =	vld.idx.msk [tilespmem:v6+s18+$0x0], $0xffff  }
0x94: {  	v8 =	vld [tilespmem:s24+$0xFFFFFFC0]  }
0x95: {  	v1 =	vmul.f32 v1, v1;
	v3 =	vsub.f32 v9, v3;
	v2 =	vld.idx.msk [tilespmem:v2+s18+$0x0], $0xffff  }
0x96: {  	v9 =	vld [tilespmem:s24+$0xFFFFFFD0]  }
0x97: {  	v0 =	vadd.f32 v1, v0;
	v12 =	vmul.f32 v3, v3;
	v7 =	vsub.f32 v11, v7;
	v1 =	vld.idx.msk [tilespmem:v5+s18+$0x0], $0xffff  }
.Ltmp4:
0x98: {  	v3 =	vld [tilespmem:s24+$0xFFFFFFE0];
	(pc) =	sbr.rel @p0 .LBB2_10-.Ltmp4, $4  }
0x99: {  	v5 =	vadd.f32 v12, v0;
	v7 =	vmul.f32 v7, v7;
	v8 =	vsub.f32 v8, v6;
	v0 =	vld.idx.msk [tilespmem:v4+s18+$0x0], $0xffff  }
0x9a: {  	v4 =	vld [tilespmem:s24+$0xFFFFFFF0]  }
0x9b: {  	v6 =	vadd.f32 v7, v5;
	v7 =	vmul.f32 v8, v8;
	v8 =	vsub.f32 v9, v2;
	v2 =	vld.idx.msk [tilespmem:v10+s18+$0x0], $0xffff  }
0x9c: {  	s26 =	sadd.s32 $0x80, s26;
	v5 =	vld [tilespmem:s24+$0x0]  }
0x9d: {  	v6 =	vadd.f32 v7, v6;
	v63 =	vmul.f32 v8, v8;
	v1 =	vsub.f32 v3, v1;
	_ =	sdelay $0x1  }
0x9e: {  	v3 =	vadd.f32 v63, v6;
	v1 =	vmul.f32 v1, v1;
	v0 =	vsub.f32 v4, v0;
	_ =	sdelay $0x1  }
0x9f: {  	v1 =	vadd.f32 v1, v3;
	v0 =	vmul.f32 v0, v0;
	v2 =	vsub.f32 v5, v2;
	_ =	sdelay $0x1  }
0xa0: {  	v0 =	vadd.f32 v0, v1;
	v1 =	vmul.f32 v2, v2  }
0xa1: {  	s24 =	simm.s32 $0x1C780  }
0xa2: {  	s25 =	simm.s32 $0x80;
	s28 =	sadd.s32 $0x0, s8;
	s26 =	simm.s32 $0x1C880;
	v0 =	vadd.f32 v1, v0  }
.LBB2_12:
0xa3: {  	[tilespmem:s24], [sflag:$0x2] =	stream.linear.gather [hbm4b:s28+s3], $0x80, $0x38;
	[tilespmem:$0x1E780] =	vst v63  }
0xa4: {  	s28 =	smov.u32 s25;
	s24 =	smov.u32 s26;
	p0 =	sne.s32 s25, $0xF80  }
.Ltmp5:
0xa5: {  	s25 =	sadd.s32 $0x80, s25;
	(pc) =	sbr.rel @p0 .LBB2_12-.Ltmp5, $2  }
0xa6: {  	_ =	sdelay $0x2  }
0xa7: {  	s26 =	sadd.s32 $0x100, s26;
	s28 =	sadd.s32 s28, s8  }
0xa8: {  	[tilespmem:s24], [sflag:$0x2] =	stream.linear.gather [hbm4b:s28+s3], $0x80, $0x38;
	[tilespmem:$0x1E780] =	vst v63  }
0xa9: {  	_ =	swait.ge [sflag:s21], $0x1000  }
0xaa: {  	[sflag:s21] =	ssyncset.done $0x0  }
0xab: {  	s31 =	simm.s32 $0x2070;
	[sflag:s21] =	ssyncadd.s32 $0xFFFFF000  }
0xac: {  	v1 =	vld [tilespmem:s31+$0xFFFFFF90]  }
0xad: {  	v5 =	vld [tilespmem:s31+$0x0]  }
0xae: {  	v2 =	vld [tilespmem:s31+$0xFFFFFFA0]  }
0xaf: {  	v3 =	vld [tilespmem:s31+$0xFFFFFFF0]  }
0xb0: {  	v4 =	vld [tilespmem:s31+$0xFFFFFFB0]  }
0xb1: {  	v6 =	vld [tilespmem:s31+$0xFFFFFFE0]  }
0xb2: {  	v7 =	vld [tilespmem:s31+$0xFFFFFFC0]  }
0xb3: {  	s24 =	simm.s32 $0x1C740;
	v8 =	vld [tilespmem:s31+$0xFFFFFFD0]  }
0xb4: {  	v9 =	vld [tilespmem:s24+$0xFFFFFFC0]  }
0xb5: {  	v1 =	vld.idx.msk [tilespmem:v1+s18+$0x0], $0xffff  }
0xb6: {  	v10 =	vld [tilespmem:s24+$0xFFFFFFD0]  }
0xb7: {  	v2 =	vld.idx.msk [tilespmem:v2+s18+$0x0], $0xffff  }
0xb8: {  	v11 =	vld [tilespmem:s24+$0xFFFFFFE0]  }
0xb9: {  	v4 =	vld.idx.msk [tilespmem:v4+s18+$0x0], $0xffff  }
0xba: {  	v7 =	vld.idx.msk [tilespmem:v7+s18+$0x0], $0xffff;
	v1 =	vsub.f32 v9, v1  }
0xbb: {  	v9 =	vld [tilespmem:s24+$0xFFFFFFF0]  }
0xbc: {  	v12 =	vld [tilespmem:s24+$0x0];
	v10 =	vsub.f32 v10, v2;
	v1 =	vmul.f32 v1, v1  }
0xbd: {  	v8 =	vld.idx.msk [tilespmem:v8+s18+$0x0], $0xffff  }
0xbe: {  	v2 =	vld.idx.msk [tilespmem:v6+s18+$0x0], $0xffff;
	v6 =	vmul.f32 v10, v10;
	v10 =	vsub.f32 v11, v4;
	v1 =	vadd.f32 v1, v0  }
0xbf: {  	v4 =	vld [tilespmem:s24+$0x10]  }
0xc0: {  	v0 =	vld.idx.msk [tilespmem:v3+s18+$0x0], $0xffff;
	v10 =	vmul.f32 v10, v10;
	v7 =	vsub.f32 v9, v7;
	v6 =	vadd.f32 v6, v1  }
0xc1: {  	v3 =	vld [tilespmem:s24+$0x20]  }
0xc2: {  	v8 =	vsub.f32 v12, v8;
	v1 =	vld.idx.msk [tilespmem:v5+s18+$0x0], $0xffff;
	v7 =	vmul.f32 v7, v7;
	v6 =	vadd.f32 v10, v6  }
0xc3: {  	s25 =	simm.s32 $0x0;
	s26 =	simm.s32 $0x20F0;
	v5 =	vld [tilespmem:s24+$0x30]  }
.LBB2_14:
0xc4: {  	v9 =	vld [tilespmem:s26+$0xFFFFFF90];
	s25 =	sadd.s32 $0x8, s25;
	v6 =	vadd.f32 v7, v6;
	v7 =	vmul.f32 v8, v8;
	v2 =	vsub.f32 v4, v2  }
0xc5: {  	v10 =	vld [tilespmem:s26+$0x0];
	p0 =	slt.u32 s25, $0xF8  }
0xc6: {  	v4 =	vld [tilespmem:s26+$0xFFFFFFA0];
	v6 =	vadd.f32 v7, v6;
	v2 =	vmul.f32 v2, v2;
	v0 =	vsub.f32 v3, v0  }
0xc7: {  	v3 =	vld [tilespmem:s26+$0xFFFFFFF0]  }
0xc8: {  	v7 =	vld [tilespmem:s26+$0xFFFFFFB0];
	v2 =	vadd.f32 v2, v6;
	v0 =	vmul.f32 v0, v0;
	v1 =	vsub.f32 v5, v1  }
0xc9: {  	v5 =	vld [tilespmem:s26+$0xFFFFFFE0]  }
0xca: {  	v6 =	vld [tilespmem:s26+$0xFFFFFFC0];
	v0 =	vadd.f32 v0, v2;
	v1 =	vmul.f32 v1, v1  }
0xcb: {  	v2 =	vld [tilespmem:s26+$0xFFFFFFD0]  }
0xcc: {  	s24 =	sadd.s32 $0x100, s24;
	v8 =	vld.idx.msk [tilespmem:v9+s18+$0x0], $0xffff;
	v0 =	vadd.f32 v1, v0  }
0xcd: {  	v1 =	vld [tilespmem:s24+$0xFFFFFFC0]  }
0xce: {  	v4 =	vld.idx.msk [tilespmem:v4+s18+$0x0], $0xffff  }
0xcf: {  	v9 =	vld [tilespmem:s24+$0xFFFFFFD0]  }
0xd0: {  	v7 =	vld.idx.msk [tilespmem:v7+s18+$0x0], $0xffff  }
0xd1: {  	v11 =	vld [tilespmem:s24+$0xFFFFFFE0]  }
0xd2: {  	v1 =	vsub.f32 v1, v8;
	v6 =	vld.idx.msk [tilespmem:v6+s18+$0x0], $0xffff  }
0xd3: {  	v8 =	vld [tilespmem:s24+$0xFFFFFFF0]  }
0xd4: {  	v1 =	vmul.f32 v1, v1;
	v4 =	vsub.f32 v9, v4;
	v9 =	vld.idx.msk [tilespmem:v2+s18+$0x0], $0xffff  }
0xd5: {  	v12 =	vld [tilespmem:s24+$0x0]  }
0xd6: {  	v0 =	vadd.f32 v1, v0;
	v1 =	vmul.f32 v4, v4;
	v7 =	vsub.f32 v11, v7;
	v2 =	vld.idx.msk [tilespmem:v5+s18+$0x0], $0xffff  }
.Ltmp6:
0xd7: {  	v4 =	vld [tilespmem:s24+$0x10];
	(pc) =	sbr.rel @p0 .LBB2_14-.Ltmp6, $4  }
0xd8: {  	v1 =	vadd.f32 v1, v0;
	v5 =	vmul.f32 v7, v7;
	v7 =	vsub.f32 v8, v6;
	v0 =	vld.idx.msk [tilespmem:v3+s18+$0x0], $0xffff  }
0xd9: {  	v3 =	vld [tilespmem:s24+$0x20]  }
0xda: {  	v6 =	vadd.f32 v5, v1;
	v7 =	vmul.f32 v7, v7;
	v8 =	vsub.f32 v12, v9;
	v1 =	vld.idx.msk [tilespmem:v10+s18+$0x0], $0xffff  }
0xdb: {  	s26 =	sadd.s32 $0x80, s26;
	v5 =	vld [tilespmem:s24+$0x30]  }
0xdc: {  	_ =	swait.ge [sflag:s21], $0x1000  }
0xdd: {  	[sflag:s21] =	ssyncset.done $0x0  }
0xde: {  	s24 =	simm.s32 $0x3070;
	[sflag:s21] =	ssyncadd.s32 $0xFFFFF000  }
0xdf: {  	v9 =	vld [tilespmem:s24+$0xFFFFFF90]  }
0xe0: {  	v10 =	vld [tilespmem:s24+$0x0]  }
0xe1: {  	v11 =	vld [tilespmem:s24+$0xFFFFFFA0]  }
0xe2: {  	v12 =	vld [tilespmem:s24+$0xFFFFFFF0]  }
0xe3: {  	v13 =	vld [tilespmem:s24+$0xFFFFFFB0]  }
0xe4: {  	v14 =	vld [tilespmem:s24+$0xFFFFFFE0]  }
0xe5: {  	v15 =	vld [tilespmem:s24+$0xFFFFFFC0]  }
0xe6: {  	v16 =	vld [tilespmem:s24+$0xFFFFFFD0];
	s24 =	simm.s32 $0x1C7F0  }
0xe7: {  	v6 =	vadd.f32 v7, v6;
	v7 =	vmul.f32 v8, v8;
	v2 =	vsub.f32 v4, v2;
	v4 =	vld [tilespmem:s24+$0xFFFFFF90]  }
0xe8: {  	v9 =	vld.idx.msk [tilespmem:v9+s18+$0x0], $0xffff  }
0xe9: {  	v6 =	vadd.f32 v7, v6;
	v2 =	vmul.f32 v2, v2;
	v0 =	vsub.f32 v3, v0;
	v3 =	vld [tilespmem:s24+$0xFFFFFFA0]  }
0xea: {  	v8 =	vld.idx.msk [tilespmem:v11+s18+$0x0], $0xffff  }
0xeb: {  	v2 =	vadd.f32 v2, v6;
	v0 =	vmul.f32 v0, v0;
	v1 =	vsub.f32 v5, v1;
	v5 =	vld [tilespmem:s24+$0xFFFFFFB0]  }
0xec: {  	v7 =	vld.idx.msk [tilespmem:v13+s18+$0x0], $0xffff  }
0xed: {  	v0 =	vadd.f32 v0, v2;
	v1 =	vmul.f32 v1, v1;
	v6 =	vld.idx.msk [tilespmem:v15+s18+$0x0], $0xffff;
	v2 =	vsub.f32 v4, v9  }
0xee: {  	v4 =	vld [tilespmem:s24+$0xFFFFFFC0]  }
0xef: {  	v1 =	vadd.f32 v1, v0;
	v9 =	vld.idx.msk [tilespmem:v16+s18+$0x0], $0xffff;
	v3 =	vsub.f32 v3, v8;
	v2 =	vmul.f32 v2, v2  }
0xf0: {  	v8 =	vld [tilespmem:s24+$0xFFFFFFD0]  }
0xf1: {  	v0 =	vld.idx.msk [tilespmem:v14+s18+$0x0], $0xffff;
	v5 =	vsub.f32 v5, v7;
	v11 =	vmul.f32 v3, v3;
	v2 =	vadd.f32 v2, v1  }
0xf2: {  	v3 =	vld [tilespmem:s24+$0xFFFFFFE0]  }
0xf3: {  	v5 =	vmul.f32 v5, v5;
	v1 =	vld.idx.msk [tilespmem:v12+s18+$0x0], $0xffff;
	v7 =	vadd.f32 v11, v2;
	v11 =	vsub.f32 v4, v6  }
0xf4: {  	v4 =	vld [tilespmem:s24+$0xFFFFFFF0]  }
0xf5: {  	v8 =	vsub.f32 v8, v9;
	v2 =	vld.idx.msk [tilespmem:v10+s18+$0x0], $0xffff;
	v6 =	vadd.f32 v5, v7;
	v7 =	vmul.f32 v11, v11  }
0xf6: {  	s25 =	simm.s32 $0x0;
	s26 =	simm.s32 $0x30F0;
	v5 =	vld [tilespmem:s24+$0x0]  }
.LBB2_16:
0xf7: {  	v9 =	vld [tilespmem:s26+$0xFFFFFF90];
	s25 =	sadd.s32 $0x8, s25;
	v6 =	vadd.f32 v7, v6;
	v7 =	vmul.f32 v8, v8;
	v0 =	vsub.f32 v3, v0  }
0xf8: {  	v10 =	vld [tilespmem:s26+$0x0];
	p0 =	slt.u32 s25, $0xF8  }
0xf9: {  	v3 =	vld [tilespmem:s26+$0xFFFFFFA0];
	v6 =	vadd.f32 v7, v6;
	v0 =	vmul.f32 v0, v0;
	v1 =	vsub.f32 v4, v1  }
0xfa: {  	v4 =	vld [tilespmem:s26+$0xFFFFFFF0]  }
0xfb: {  	v7 =	vld [tilespmem:s26+$0xFFFFFFB0];
	v0 =	vadd.f32 v0, v6;
	v1 =	vmul.f32 v1, v1;
	v2 =	vsub.f32 v5, v2  }
0xfc: {  	v5 =	vld [tilespmem:s26+$0xFFFFFFE0]  }
0xfd: {  	v6 =	vld [tilespmem:s26+$0xFFFFFFC0];
	v0 =	vadd.f32 v1, v0;
	v1 =	vmul.f32 v2, v2  }
0xfe: {  	v2 =	vld [tilespmem:s26+$0xFFFFFFD0]  }
0xff: {  	s24 =	sadd.s32 $0x100, s24;
	v8 =	vld.idx.msk [tilespmem:v9+s18+$0x0], $0xffff;
	v0 =	vadd.f32 v1, v0  }
0x100: {  	v1 =	vld [tilespmem:s24+$0xFFFFFF90]  }
0x101: {  	v3 =	vld.idx.msk [tilespmem:v3+s18+$0x0], $0xffff  }
0x102: {  	v9 =	vld [tilespmem:s24+$0xFFFFFFA0]  }
0x103: {  	v7 =	vld.idx.msk [tilespmem:v7+s18+$0x0], $0xffff  }
0x104: {  	v11 =	vld [tilespmem:s24+$0xFFFFFFB0]  }
0x105: {  	v1 =	vsub.f32 v1, v8;
	v6 =	vld.idx.msk [tilespmem:v6+s18+$0x0], $0xffff  }
0x106: {  	v8 =	vld [tilespmem:s24+$0xFFFFFFC0]  }
0x107: {  	v1 =	vmul.f32 v1, v1;
	v3 =	vsub.f32 v9, v3;
	v2 =	vld.idx.msk [tilespmem:v2+s18+$0x0], $0xffff  }
0x108: {  	v9 =	vld [tilespmem:s24+$0xFFFFFFD0]  }
0x109: {  	v1 =	vadd.f32 v1, v0;
	v12 =	vmul.f32 v3, v3;
	v7 =	vsub.f32 v11, v7;
	v0 =	vld.idx.msk [tilespmem:v5+s18+$0x0], $0xffff  }
.Ltmp7:
0x10a: {  	v3 =	vld [tilespmem:s24+$0xFFFFFFE0];
	(pc) =	sbr.rel @p0 .LBB2_16-.Ltmp7, $4  }
0x10b: {  	v5 =	vadd.f32 v12, v1;
	v7 =	vmul.f32 v7, v7;
	v8 =	vsub.f32 v8, v6;
	v1 =	vld.idx.msk [tilespmem:v4+s18+$0x0], $0xffff  }
0x10c: {  	v4 =	vld [tilespmem:s24+$0xFFFFFFF0]  }
0x10d: {  	v6 =	vadd.f32 v7, v5;
	v7 =	vmul.f32 v8, v8;
	v8 =	vsub.f32 v9, v2;
	v2 =	vld.idx.msk [tilespmem:v10+s18+$0x0], $0xffff  }
0x10e: {  	s26 =	sadd.s32 $0x80, s26;
	v5 =	vld [tilespmem:s24+$0x0]  }
0x10f: {  	v6 =	vadd.f32 v7, v6;
	v63 =	vmul.f32 v8, v8;
	v0 =	vsub.f32 v3, v0;
	_ =	sdelay $0x1  }
0x110: {  	v3 =	vadd.f32 v63, v6;
	v0 =	vmul.f32 v0, v0;
	v1 =	vsub.f32 v4, v1;
	_ =	sdelay $0x1  }
0x111: {  	v0 =	vadd.f32 v0, v3;
	v1 =	vmul.f32 v1, v1;
	v2 =	vsub.f32 v5, v2;
	_ =	sdelay $0x1  }
0x112: {  	[tilespmem:s18], [sflag:$0x1] =	stream.strided.gather [hbm4b:s9+s16], $0x18700, s17, s16, $0x38;
	v0 =	vadd.f32 v1, v0;
	v1 =	vmul.f32 v2, v2;
	[tilespmem:$0x1E780] =	vst v63  }
0x113: {  	s24 =	simm.s32 $0x1C700  }
0x114: {  	s25 =	simm.s32 $0x80;
	s28 =	sadd.s32 $0x0, s10;
	s26 =	simm.s32 $0x1C800;
	v0 =	vadd.f32 v1, v0  }
.LBB2_18:
0x115: {  	[tilespmem:s24], [sflag:$0x2] =	stream.linear.gather [hbm4b:s28+s3], $0x80, $0x38;
	[tilespmem:$0x1E780] =	vst v63  }
0x116: {  	s28 =	smov.u32 s25;
	s24 =	smov.u32 s26;
	p0 =	sne.s32 s25, $0xF80  }
.Ltmp8:
0x117: {  	s25 =	sadd.s32 $0x80, s25;
	(pc) =	sbr.rel @p0 .LBB2_18-.Ltmp8, $2  }
0x118: {  	_ =	sdelay $0x2  }
0x119: {  	s26 =	sadd.s32 $0x100, s26;
	s28 =	sadd.s32 s28, s10  }
0x11a: {  	[tilespmem:s24], [sflag:$0x2] =	stream.linear.gather [hbm4b:s28+s3], $0x80, $0x38;
	[tilespmem:$0x1E780] =	vst v63  }
0x11b: {  	_ =	swait.ge [sflag:s20], $0x18700  }
0x11c: {  	s24 =	simm.s32 $0x1C780;
	s25 =	simm.s32 $0x80;
	[sflag:s20] =	ssyncset.done $0x0  }
0x11d: {  	s28 =	sadd.s32 $0x0, s11;
	s26 =	simm.s32 $0x1C880;
	[sflag:s20] =	ssyncadd.s32 $0xFFFE7900  }
.LBB2_20:
0x11e: {  	[tilespmem:s24], [sflag:$0x2] =	stream.linear.gather [hbm4b:s28+s3], $0x80, $0x38;
	[tilespmem:$0x1E780] =	vst v63  }
0x11f: {  	s28 =	smov.u32 s25;
	s24 =	smov.u32 s26;
	p0 =	sne.s32 s25, $0xF80  }
.Ltmp9:
0x120: {  	s25 =	sadd.s32 $0x80, s25;
	(pc) =	sbr.rel @p0 .LBB2_20-.Ltmp9, $2  }
0x121: {  	_ =	sdelay $0x2  }
0x122: {  	s26 =	sadd.s32 $0x100, s26;
	s28 =	sadd.s32 s28, s11  }
0x123: {  	[tilespmem:s24], [sflag:$0x2] =	stream.linear.gather [hbm4b:s28+s3], $0x80, $0x38;
	[tilespmem:$0x1E780] =	vst v63  }
0x124: {  	_ =	swait.ge [sflag:s21], $0x1000  }
0x125: {  	[sflag:s21] =	ssyncset.done $0x0  }
0x126: {  	s31 =	simm.s32 $0x40;
	[sflag:s21] =	ssyncadd.s32 $0xFFFFF000  }
0x127: {  	v1 =	vld [tilespmem:s31+$0xFFFFFFC0]  }
0x128: {  	v2 =	vld [tilespmem:s31+$0x30]  }
0x129: {  	v3 =	vld [tilespmem:s31+$0xFFFFFFD0]  }
0x12a: {  	v4 =	vld [tilespmem:s31+$0x20]  }
0x12b: {  	v5 =	vld [tilespmem:s31+$0xFFFFFFE0]  }
0x12c: {  	v6 =	vld [tilespmem:s31+$0x10]  }
0x12d: {  	v7 =	vld [tilespmem:s31+$0xFFFFFFF0]  }
0x12e: {  	s24 =	simm.s32 $0x1C740;
	v8 =	vld [tilespmem:s31+$0x0]  }
0x12f: {  	v9 =	vld [tilespmem:s24+$0xFFFFFFC0]  }
0x130: {  	v1 =	vld.idx.msk [tilespmem:v1+s18+$0x0], $0xffff  }
0x131: {  	v10 =	vld [tilespmem:s24+$0xFFFFFFD0]  }
0x132: {  	v3 =	vld.idx.msk [tilespmem:v3+s18+$0x0], $0xffff  }
0x133: {  	v11 =	vld [tilespmem:s24+$0xFFFFFFE0]  }
0x134: {  	v5 =	vld.idx.msk [tilespmem:v5+s18+$0x0], $0xffff  }
0x135: {  	v7 =	vld.idx.msk [tilespmem:v7+s18+$0x0], $0xffff;
	v1 =	vsub.f32 v9, v1  }
0x136: {  	v9 =	vld [tilespmem:s24+$0xFFFFFFF0]  }
0x137: {  	v8 =	vld.idx.msk [tilespmem:v8+s18+$0x0], $0xffff;
	v3 =	vsub.f32 v10, v3;
	v12 =	vmul.f32 v1, v1  }
0x138: {  	v10 =	vld [tilespmem:s24+$0x0]  }
0x139: {  	v5 =	vsub.f32 v11, v5;
	v1 =	vld.idx.msk [tilespmem:v6+s18+$0x0], $0xffff;
	v63 =	vmul.f32 v3, v3;
	v6 =	vadd.f32 v12, v0  }
0x13a: {  	v3 =	vld [tilespmem:s24+$0x10]  }
0x13b: {  	v5 =	vmul.f32 v5, v5;
	v0 =	vld.idx.msk [tilespmem:v4+s18+$0x0], $0xffff;
	v7 =	vsub.f32 v9, v7;
	v6 =	vadd.f32 v63, v6  }
0x13c: {  	v4 =	vld [tilespmem:s24+$0x20]  }
0x13d: {  	v2 =	vld.idx.msk [tilespmem:v2+s18+$0x0], $0xffff;
	v8 =	vsub.f32 v10, v8;
	v7 =	vmul.f32 v7, v7;
	v6 =	vadd.f32 v5, v6  }
0x13e: {  	s25 =	simm.s32 $0x0;
	s26 =	simm.s32 $0xC0;
	v5 =	vld [tilespmem:s24+$0x30]  }
.LBB2_22:
0x13f: {  	v9 =	vld [tilespmem:s26+$0xFFFFFFC0];
	s25 =	sadd.s32 $0x8, s25;
	v6 =	vadd.f32 v7, v6;
	v7 =	vmul.f32 v8, v8;
	v1 =	vsub.f32 v3, v1  }
0x140: {  	v10 =	vld [tilespmem:s26+$0x30];
	p0 =	slt.u32 s25, $0xF8  }
0x141: {  	v3 =	vld [tilespmem:s26+$0xFFFFFFD0];
	v6 =	vadd.f32 v7, v6;
	v1 =	vmul.f32 v1, v1;
	v0 =	vsub.f32 v4, v0  }
0x142: {  	v4 =	vld [tilespmem:s26+$0x20]  }
0x143: {  	v7 =	vld [tilespmem:s26+$0xFFFFFFE0];
	v1 =	vadd.f32 v1, v6;
	v0 =	vmul.f32 v0, v0;
	v2 =	vsub.f32 v5, v2  }
0x144: {  	v5 =	vld [tilespmem:s26+$0x10]  }
0x145: {  	v6 =	vld [tilespmem:s26+$0xFFFFFFF0];
	v0 =	vadd.f32 v0, v1;
	v1 =	vmul.f32 v2, v2  }
0x146: {  	v2 =	vld [tilespmem:s26+$0x0]  }
0x147: {  	s24 =	sadd.s32 $0x100, s24;
	v8 =	vld.idx.msk [tilespmem:v9+s18+$0x0], $0xffff;
	v0 =	vadd.f32 v1, v0  }
0x148: {  	v1 =	vld [tilespmem:s24+$0xFFFFFFC0]  }
0x149: {  	v3 =	vld.idx.msk [tilespmem:v3+s18+$0x0], $0xffff  }
0x14a: {  	v9 =	vld [tilespmem:s24+$0xFFFFFFD0]  }
0x14b: {  	v7 =	vld.idx.msk [tilespmem:v7+s18+$0x0], $0xffff  }
0x14c: {  	v11 =	vld [tilespmem:s24+$0xFFFFFFE0]  }
0x14d: {  	v1 =	vsub.f32 v1, v8;
	v6 =	vld.idx.msk [tilespmem:v6+s18+$0x0], $0xffff  }
0x14e: {  	v8 =	vld [tilespmem:s24+$0xFFFFFFF0]  }
0x14f: {  	v1 =	vmul.f32 v1, v1;
	v3 =	vsub.f32 v9, v3;
	v2 =	vld.idx.msk [tilespmem:v2+s18+$0x0], $0xffff  }
0x150: {  	v9 =	vld [tilespmem:s24+$0x0]  }
0x151: {  	v0 =	vadd.f32 v1, v0;
	v12 =	vmul.f32 v3, v3;
	v7 =	vsub.f32 v11, v7;
	v1 =	vld.idx.msk [tilespmem:v5+s18+$0x0], $0xffff  }
.Ltmp10:
0x152: {  	v3 =	vld [tilespmem:s24+$0x10];
	(pc) =	sbr.rel @p0 .LBB2_22-.Ltmp10, $4  }
0x153: {  	v5 =	vadd.f32 v12, v0;
	v7 =	vmul.f32 v7, v7;
	v8 =	vsub.f32 v8, v6;
	v0 =	vld.idx.msk [tilespmem:v4+s18+$0x0], $0xffff  }
0x154: {  	v4 =	vld [tilespmem:s24+$0x20]  }
0x155: {  	v6 =	vadd.f32 v7, v5;
	v7 =	vmul.f32 v8, v8;
	v8 =	vsub.f32 v9, v2;
	v2 =	vld.idx.msk [tilespmem:v10+s18+$0x0], $0xffff  }
0x156: {  	s26 =	sadd.s32 $0x80, s26;
	v5 =	vld [tilespmem:s24+$0x30]  }
0x157: {  	v6 =	vadd.f32 v7, v6;
	v63 =	vmul.f32 v8, v8;
	v1 =	vsub.f32 v3, v1;
	_ =	sdelay $0x1  }
0x158: {  	v3 =	vadd.f32 v63, v6;
	v1 =	vmul.f32 v1, v1;
	v0 =	vsub.f32 v4, v0;
	_ =	sdelay $0x1  }
0x159: {  	v1 =	vadd.f32 v1, v3;
	v0 =	vmul.f32 v0, v0;
	v2 =	vsub.f32 v5, v2;
	_ =	sdelay $0x1  }
0x15a: {  	v0 =	vadd.f32 v0, v1;
	v1 =	vmul.f32 v2, v2  }
0x15b: {  	s24 =	simm.s32 $0x1C700  }
0x15c: {  	s25 =	simm.s32 $0x80;
	s28 =	sadd.s32 $0x0, s12;
	s26 =	simm.s32 $0x1C800;
	v0 =	vadd.f32 v1, v0  }
.LBB2_24:
0x15d: {  	[tilespmem:s24], [sflag:$0x2] =	stream.linear.gather [hbm4b:s28+s3], $0x80, $0x38;
	[tilespmem:$0x1E780] =	vst v63  }
0x15e: {  	s28 =	smov.u32 s25;
	s24 =	smov.u32 s26;
	p0 =	sne.s32 s25, $0xF80  }
.Ltmp11:
0x15f: {  	s25 =	sadd.s32 $0x80, s25;
	(pc) =	sbr.rel @p0 .LBB2_24-.Ltmp11, $2  }
0x160: {  	_ =	sdelay $0x2  }
0x161: {  	s26 =	sadd.s32 $0x100, s26;
	s28 =	sadd.s32 s28, s12  }
0x162: {  	[tilespmem:s24], [sflag:$0x2] =	stream.linear.gather [hbm4b:s28+s3], $0x80, $0x38;
	[tilespmem:$0x1E780] =	vst v63  }
0x163: {  	_ =	swait.ge [sflag:s21], $0x1000  }
0x164: {  	[sflag:s21] =	ssyncset.done $0x0  }
0x165: {  	s31 =	simm.s32 $0x1070;
	[sflag:s21] =	ssyncadd.s32 $0xFFFFF000  }
0x166: {  	v1 =	vld [tilespmem:s31+$0xFFFFFF90]  }
0x167: {  	v2 =	vld [tilespmem:s31+$0x0]  }
0x168: {  	v3 =	vld [tilespmem:s31+$0xFFFFFFA0]  }
0x169: {  	v4 =	vld [tilespmem:s31+$0xFFFFFFF0]  }
0x16a: {  	v5 =	vld [tilespmem:s31+$0xFFFFFFB0]  }
0x16b: {  	v6 =	vld [tilespmem:s31+$0xFFFFFFE0]  }
0x16c: {  	v7 =	vld [tilespmem:s31+$0xFFFFFFC0]  }
0x16d: {  	s24 =	simm.s32 $0x1C7F0;
	v8 =	vld [tilespmem:s31+$0xFFFFFFD0]  }
0x16e: {  	v9 =	vld [tilespmem:s24+$0xFFFFFF90]  }
0x16f: {  	v1 =	vld.idx.msk [tilespmem:v1+s18+$0x0], $0xffff  }
0x170: {  	v10 =	vld [tilespmem:s24+$0xFFFFFFA0]  }
0x171: {  	v3 =	vld.idx.msk [tilespmem:v3+s18+$0x0], $0xffff  }
0x172: {  	v11 =	vld [tilespmem:s24+$0xFFFFFFB0]  }
0x173: {  	v5 =	vld.idx.msk [tilespmem:v5+s18+$0x0], $0xffff  }
0x174: {  	v7 =	vld.idx.msk [tilespmem:v7+s18+$0x0], $0xffff;
	v1 =	vsub.f32 v9, v1  }
0x175: {  	v9 =	vld [tilespmem:s24+$0xFFFFFFC0]  }
0x176: {  	v8 =	vld.idx.msk [tilespmem:v8+s18+$0x0], $0xffff;
	v3 =	vsub.f32 v10, v3;
	v12 =	vmul.f32 v1, v1  }
0x177: {  	v10 =	vld [tilespmem:s24+$0xFFFFFFD0]  }
0x178: {  	v5 =	vsub.f32 v11, v5;
	v1 =	vld.idx.msk [tilespmem:v6+s18+$0x0], $0xffff;
	v63 =	vmul.f32 v3, v3;
	v6 =	vadd.f32 v12, v0  }
0x179: {  	v3 =	vld [tilespmem:s24+$0xFFFFFFE0]  }
0x17a: {  	v5 =	vmul.f32 v5, v5;
	v0 =	vld.idx.msk [tilespmem:v4+s18+$0x0], $0xffff;
	v7 =	vsub.f32 v9, v7;
	v6 =	vadd.f32 v63, v6  }
0x17b: {  	v4 =	vld [tilespmem:s24+$0xFFFFFFF0]  }
0x17c: {  	v2 =	vld.idx.msk [tilespmem:v2+s18+$0x0], $0xffff;
	v8 =	vsub.f32 v10, v8;
	v7 =	vmul.f32 v7, v7;
	v6 =	vadd.f32 v5, v6  }
0x17d: {  	s25 =	simm.s32 $0x0;
	s26 =	simm.s32 $0x10F0;
	v5 =	vld [tilespmem:s24+$0x0]  }
.LBB2_26:
0x17e: {  	v9 =	vld [tilespmem:s26+$0xFFFFFF90];
	s25 =	sadd.s32 $0x8, s25;
	v6 =	vadd.f32 v7, v6;
	v7 =	vmul.f32 v8, v8;
	v1 =	vsub.f32 v3, v1  }
0x17f: {  	v10 =	vld [tilespmem:s26+$0x0];
	p0 =	slt.u32 s25, $0xF8  }
0x180: {  	v3 =	vld [tilespmem:s26+$0xFFFFFFA0];
	v6 =	vadd.f32 v7, v6;
	v1 =	vmul.f32 v1, v1;
	v0 =	vsub.f32 v4, v0  }
0x181: {  	v4 =	vld [tilespmem:s26+$0xFFFFFFF0]  }
0x182: {  	v7 =	vld [tilespmem:s26+$0xFFFFFFB0];
	v1 =	vadd.f32 v1, v6;
	v0 =	vmul.f32 v0, v0;
	v2 =	vsub.f32 v5, v2  }
0x183: {  	v5 =	vld [tilespmem:s26+$0xFFFFFFE0]  }
0x184: {  	v6 =	vld [tilespmem:s26+$0xFFFFFFC0];
	v0 =	vadd.f32 v0, v1;
	v1 =	vmul.f32 v2, v2  }
0x185: {  	v2 =	vld [tilespmem:s26+$0xFFFFFFD0]  }
0x186: {  	s24 =	sadd.s32 $0x100, s24;
	v8 =	vld.idx.msk [tilespmem:v9+s18+$0x0], $0xffff;
	v0 =	vadd.f32 v1, v0  }
0x187: {  	v1 =	vld [tilespmem:s24+$0xFFFFFF90]  }
0x188: {  	v3 =	vld.idx.msk [tilespmem:v3+s18+$0x0], $0xffff  }
0x189: {  	v9 =	vld [tilespmem:s24+$0xFFFFFFA0]  }
0x18a: {  	v7 =	vld.idx.msk [tilespmem:v7+s18+$0x0], $0xffff  }
0x18b: {  	v11 =	vld [tilespmem:s24+$0xFFFFFFB0]  }
0x18c: {  	v1 =	vsub.f32 v1, v8;
	v6 =	vld.idx.msk [tilespmem:v6+s18+$0x0], $0xffff  }
0x18d: {  	v8 =	vld [tilespmem:s24+$0xFFFFFFC0]  }
0x18e: {  	v1 =	vmul.f32 v1, v1;
	v3 =	vsub.f32 v9, v3;
	v2 =	vld.idx.msk [tilespmem:v2+s18+$0x0], $0xffff  }
0x18f: {  	v9 =	vld [tilespmem:s24+$0xFFFFFFD0]  }
0x190: {  	v0 =	vadd.f32 v1, v0;
	v12 =	vmul.f32 v3, v3;
	v7 =	vsub.f32 v11, v7;
	v1 =	vld.idx.msk [tilespmem:v5+s18+$0x0], $0xffff  }
.Ltmp12:
0x191: {  	v3 =	vld [tilespmem:s24+$0xFFFFFFE0];
	(pc) =	sbr.rel @p0 .LBB2_26-.Ltmp12, $4  }
0x192: {  	v5 =	vadd.f32 v12, v0;
	v7 =	vmul.f32 v7, v7;
	v8 =	vsub.f32 v8, v6;
	v0 =	vld.idx.msk [tilespmem:v4+s18+$0x0], $0xffff  }
0x193: {  	v4 =	vld [tilespmem:s24+$0xFFFFFFF0]  }
0x194: {  	v6 =	vadd.f32 v7, v5;
	v7 =	vmul.f32 v8, v8;
	v8 =	vsub.f32 v9, v2;
	v2 =	vld.idx.msk [tilespmem:v10+s18+$0x0], $0xffff  }
0x195: {  	s26 =	sadd.s32 $0x80, s26;
	v5 =	vld [tilespmem:s24+$0x0]  }
0x196: {  	v6 =	vadd.f32 v7, v6;
	v63 =	vmul.f32 v8, v8;
	v1 =	vsub.f32 v3, v1;
	_ =	sdelay $0x1  }
0x197: {  	v3 =	vadd.f32 v63, v6;
	v1 =	vmul.f32 v1, v1;
	v0 =	vsub.f32 v4, v0;
	_ =	sdelay $0x1  }
0x198: {  	v1 =	vadd.f32 v1, v3;
	v0 =	vmul.f32 v0, v0;
	v2 =	vsub.f32 v5, v2;
	_ =	sdelay $0x1  }
0x199: {  	v0 =	vadd.f32 v0, v1;
	v1 =	vmul.f32 v2, v2  }
0x19a: {  	s24 =	simm.s32 $0x1C780  }
0x19b: {  	s25 =	simm.s32 $0x80;
	s28 =	sadd.s32 $0x0, s13;
	s26 =	simm.s32 $0x1C880;
	v0 =	vadd.f32 v1, v0  }
.LBB2_28:
0x19c: {  	[tilespmem:s24], [sflag:$0x2] =	stream.linear.gather [hbm4b:s28+s3], $0x80, $0x38;
	[tilespmem:$0x1E780] =	vst v63  }
0x19d: {  	s28 =	smov.u32 s25;
	s24 =	smov.u32 s26;
	p0 =	sne.s32 s25, $0xF80  }
.Ltmp13:
0x19e: {  	s25 =	sadd.s32 $0x80, s25;
	(pc) =	sbr.rel @p0 .LBB2_28-.Ltmp13, $2  }
0x19f: {  	_ =	sdelay $0x2  }
0x1a0: {  	s26 =	sadd.s32 $0x100, s26;
	s28 =	sadd.s32 s28, s13  }
0x1a1: {  	[tilespmem:s24], [sflag:$0x2] =	stream.linear.gather [hbm4b:s28+s3], $0x80, $0x38;
	[tilespmem:$0x1E780] =	vst v63  }
0x1a2: {  	_ =	swait.ge [sflag:s21], $0x1000  }
0x1a3: {  	[sflag:s21] =	ssyncset.done $0x0  }
0x1a4: {  	s31 =	simm.s32 $0x2070;
	[sflag:s21] =	ssyncadd.s32 $0xFFFFF000  }
0x1a5: {  	v1 =	vld [tilespmem:s31+$0xFFFFFF90]  }
0x1a6: {  	v5 =	vld [tilespmem:s31+$0x0]  }
0x1a7: {  	v2 =	vld [tilespmem:s31+$0xFFFFFFA0]  }
0x1a8: {  	v3 =	vld [tilespmem:s31+$0xFFFFFFF0]  }
0x1a9: {  	v4 =	vld [tilespmem:s31+$0xFFFFFFB0]  }
0x1aa: {  	v6 =	vld [tilespmem:s31+$0xFFFFFFE0]  }
0x1ab: {  	v7 =	vld [tilespmem:s31+$0xFFFFFFC0]  }
0x1ac: {  	s24 =	simm.s32 $0x1C740;
	v8 =	vld [tilespmem:s31+$0xFFFFFFD0]  }
0x1ad: {  	v9 =	vld [tilespmem:s24+$0xFFFFFFC0]  }
0x1ae: {  	v1 =	vld.idx.msk [tilespmem:v1+s18+$0x0], $0xffff  }
0x1af: {  	v10 =	vld [tilespmem:s24+$0xFFFFFFD0]  }
0x1b0: {  	v2 =	vld.idx.msk [tilespmem:v2+s18+$0x0], $0xffff  }
0x1b1: {  	v11 =	vld [tilespmem:s24+$0xFFFFFFE0]  }
0x1b2: {  	v4 =	vld.idx.msk [tilespmem:v4+s18+$0x0], $0xffff  }
0x1b3: {  	v7 =	vld.idx.msk [tilespmem:v7+s18+$0x0], $0xffff;
	v1 =	vsub.f32 v9, v1  }
0x1b4: {  	v9 =	vld [tilespmem:s24+$0xFFFFFFF0]  }
0x1b5: {  	v12 =	vld [tilespmem:s24+$0x0];
	v10 =	vsub.f32 v10, v2;
	v1 =	vmul.f32 v1, v1  }
0x1b6: {  	v8 =	vld.idx.msk [tilespmem:v8+s18+$0x0], $0xffff  }
0x1b7: {  	v2 =	vld.idx.msk [tilespmem:v6+s18+$0x0], $0xffff;
	v6 =	vmul.f32 v10, v10;
	v10 =	vsub.f32 v11, v4;
	v1 =	vadd.f32 v1, v0  }
0x1b8: {  	v4 =	vld [tilespmem:s24+$0x10]  }
0x1b9: {  	v0 =	vld.idx.msk [tilespmem:v3+s18+$0x0], $0xffff;
	v10 =	vmul.f32 v10, v10;
	v7 =	vsub.f32 v9, v7;
	v6 =	vadd.f32 v6, v1  }
0x1ba: {  	v3 =	vld [tilespmem:s24+$0x20]  }
0x1bb: {  	v8 =	vsub.f32 v12, v8;
	v1 =	vld.idx.msk [tilespmem:v5+s18+$0x0], $0xffff;
	v7 =	vmul.f32 v7, v7;
	v6 =	vadd.f32 v10, v6  }
0x1bc: {  	s25 =	simm.s32 $0x0;
	s26 =	simm.s32 $0x20F0;
	v5 =	vld [tilespmem:s24+$0x30]  }
.LBB2_30:
0x1bd: {  	v9 =	vld [tilespmem:s26+$0xFFFFFF90];
	s25 =	sadd.s32 $0x8, s25;
	v6 =	vadd.f32 v7, v6;
	v7 =	vmul.f32 v8, v8;
	v2 =	vsub.f32 v4, v2  }
0x1be: {  	v10 =	vld [tilespmem:s26+$0x0];
	p0 =	slt.u32 s25, $0xF8  }
0x1bf: {  	v4 =	vld [tilespmem:s26+$0xFFFFFFA0];
	v6 =	vadd.f32 v7, v6;
	v2 =	vmul.f32 v2, v2;
	v0 =	vsub.f32 v3, v0  }
0x1c0: {  	v3 =	vld [tilespmem:s26+$0xFFFFFFF0]  }
0x1c1: {  	v7 =	vld [tilespmem:s26+$0xFFFFFFB0];
	v2 =	vadd.f32 v2, v6;
	v0 =	vmul.f32 v0, v0;
	v1 =	vsub.f32 v5, v1  }
0x1c2: {  	v5 =	vld [tilespmem:s26+$0xFFFFFFE0]  }
0x1c3: {  	v6 =	vld [tilespmem:s26+$0xFFFFFFC0];
	v0 =	vadd.f32 v0, v2;
	v1 =	vmul.f32 v1, v1  }
0x1c4: {  	v2 =	vld [tilespmem:s26+$0xFFFFFFD0]  }
0x1c5: {  	s24 =	sadd.s32 $0x100, s24;
	v8 =	vld.idx.msk [tilespmem:v9+s18+$0x0], $0xffff;
	v0 =	vadd.f32 v1, v0  }
0x1c6: {  	v1 =	vld [tilespmem:s24+$0xFFFFFFC0]  }
0x1c7: {  	v4 =	vld.idx.msk [tilespmem:v4+s18+$0x0], $0xffff  }
0x1c8: {  	v9 =	vld [tilespmem:s24+$0xFFFFFFD0]  }
0x1c9: {  	v7 =	vld.idx.msk [tilespmem:v7+s18+$0x0], $0xffff  }
0x1ca: {  	v11 =	vld [tilespmem:s24+$0xFFFFFFE0]  }
0x1cb: {  	v1 =	vsub.f32 v1, v8;
	v6 =	vld.idx.msk [tilespmem:v6+s18+$0x0], $0xffff  }
0x1cc: {  	v8 =	vld [tilespmem:s24+$0xFFFFFFF0]  }
0x1cd: {  	v1 =	vmul.f32 v1, v1;
	v4 =	vsub.f32 v9, v4;
	v9 =	vld.idx.msk [tilespmem:v2+s18+$0x0], $0xffff  }
0x1ce: {  	v12 =	vld [tilespmem:s24+$0x0]  }
0x1cf: {  	v0 =	vadd.f32 v1, v0;
	v1 =	vmul.f32 v4, v4;
	v7 =	vsub.f32 v11, v7;
	v2 =	vld.idx.msk [tilespmem:v5+s18+$0x0], $0xffff  }
.Ltmp14:
0x1d0: {  	v4 =	vld [tilespmem:s24+$0x10];
	(pc) =	sbr.rel @p0 .LBB2_30-.Ltmp14, $4  }
0x1d1: {  	v1 =	vadd.f32 v1, v0;
	v5 =	vmul.f32 v7, v7;
	v7 =	vsub.f32 v8, v6;
	v0 =	vld.idx.msk [tilespmem:v3+s18+$0x0], $0xffff  }
0x1d2: {  	v3 =	vld [tilespmem:s24+$0x20]  }
0x1d3: {  	v6 =	vadd.f32 v5, v1;
	v7 =	vmul.f32 v7, v7;
	v8 =	vsub.f32 v12, v9;
	v1 =	vld.idx.msk [tilespmem:v10+s18+$0x0], $0xffff  }
0x1d4: {  	s26 =	sadd.s32 $0x80, s26;
	v5 =	vld [tilespmem:s24+$0x30]  }
0x1d5: {  	_ =	swait.ge [sflag:s21], $0x1000  }
0x1d6: {  	[sflag:s21] =	ssyncset.done $0x0  }
0x1d7: {  	s24 =	simm.s32 $0x3070;
	[sflag:s21] =	ssyncadd.s32 $0xFFFFF000  }
0x1d8: {  	v9 =	vld [tilespmem:s24+$0xFFFFFF90]  }
0x1d9: {  	v10 =	vld [tilespmem:s24+$0x0]  }
0x1da: {  	v11 =	vld [tilespmem:s24+$0xFFFFFFA0]  }
0x1db: {  	v12 =	vld [tilespmem:s24+$0xFFFFFFF0]  }
0x1dc: {  	v13 =	vld [tilespmem:s24+$0xFFFFFFB0]  }
0x1dd: {  	v14 =	vld [tilespmem:s24+$0xFFFFFFE0]  }
0x1de: {  	v15 =	vld [tilespmem:s24+$0xFFFFFFC0]  }
0x1df: {  	v16 =	vld [tilespmem:s24+$0xFFFFFFD0];
	s24 =	simm.s32 $0x1C7F0  }
0x1e0: {  	v6 =	vadd.f32 v7, v6;
	v7 =	vmul.f32 v8, v8;
	v2 =	vsub.f32 v4, v2;
	v4 =	vld [tilespmem:s24+$0xFFFFFF90]  }
0x1e1: {  	v9 =	vld.idx.msk [tilespmem:v9+s18+$0x0], $0xffff  }
0x1e2: {  	v6 =	vadd.f32 v7, v6;
	v2 =	vmul.f32 v2, v2;
	v0 =	vsub.f32 v3, v0;
	v3 =	vld [tilespmem:s24+$0xFFFFFFA0]  }
0x1e3: {  	v8 =	vld.idx.msk [tilespmem:v11+s18+$0x0], $0xffff  }
0x1e4: {  	v2 =	vadd.f32 v2, v6;
	v0 =	vmul.f32 v0, v0;
	v1 =	vsub.f32 v5, v1;
	v5 =	vld [tilespmem:s24+$0xFFFFFFB0]  }
0x1e5: {  	v7 =	vld.idx.msk [tilespmem:v13+s18+$0x0], $0xffff  }
0x1e6: {  	v0 =	vadd.f32 v0, v2;
	v1 =	vmul.f32 v1, v1;
	v6 =	vld.idx.msk [tilespmem:v15+s18+$0x0], $0xffff;
	v2 =	vsub.f32 v4, v9  }
0x1e7: {  	v4 =	vld [tilespmem:s24+$0xFFFFFFC0]  }
0x1e8: {  	v1 =	vadd.f32 v1, v0;
	v9 =	vld.idx.msk [tilespmem:v16+s18+$0x0], $0xffff;
	v3 =	vsub.f32 v3, v8;
	v2 =	vmul.f32 v2, v2  }
0x1e9: {  	v8 =	vld [tilespmem:s24+$0xFFFFFFD0]  }
0x1ea: {  	v0 =	vld.idx.msk [tilespmem:v14+s18+$0x0], $0xffff;
	v5 =	vsub.f32 v5, v7;
	v11 =	vmul.f32 v3, v3;
	v2 =	vadd.f32 v2, v1  }
0x1eb: {  	v3 =	vld [tilespmem:s24+$0xFFFFFFE0]  }
0x1ec: {  	v5 =	vmul.f32 v5, v5;
	v1 =	vld.idx.msk [tilespmem:v12+s18+$0x0], $0xffff;
	v7 =	vadd.f32 v11, v2;
	v11 =	vsub.f32 v4, v6  }
0x1ed: {  	v4 =	vld [tilespmem:s24+$0xFFFFFFF0]  }
0x1ee: {  	v8 =	vsub.f32 v8, v9;
	v2 =	vld.idx.msk [tilespmem:v10+s18+$0x0], $0xffff;
	v6 =	vadd.f32 v5, v7;
	v7 =	vmul.f32 v11, v11  }
0x1ef: {  	s25 =	simm.s32 $0x0;
	s26 =	simm.s32 $0x30F0;
	v5 =	vld [tilespmem:s24+$0x0]  }
.LBB2_32:
0x1f0: {  	v9 =	vld [tilespmem:s26+$0xFFFFFF90];
	s25 =	sadd.s32 $0x8, s25;
	v6 =	vadd.f32 v7, v6;
	v7 =	vmul.f32 v8, v8;
	v0 =	vsub.f32 v3, v0  }
0x1f1: {  	v10 =	vld [tilespmem:s26+$0x0];
	p0 =	slt.u32 s25, $0xF8  }
0x1f2: {  	v3 =	vld [tilespmem:s26+$0xFFFFFFA0];
	v6 =	vadd.f32 v7, v6;
	v0 =	vmul.f32 v0, v0;
	v1 =	vsub.f32 v4, v1  }
0x1f3: {  	v4 =	vld [tilespmem:s26+$0xFFFFFFF0]  }
0x1f4: {  	v7 =	vld [tilespmem:s26+$0xFFFFFFB0];
	v0 =	vadd.f32 v0, v6;
	v1 =	vmul.f32 v1, v1;
	v2 =	vsub.f32 v5, v2  }
0x1f5: {  	v5 =	vld [tilespmem:s26+$0xFFFFFFE0]  }
0x1f6: {  	v6 =	vld [tilespmem:s26+$0xFFFFFFC0];
	v0 =	vadd.f32 v1, v0;
	v1 =	vmul.f32 v2, v2  }
0x1f7: {  	v2 =	vld [tilespmem:s26+$0xFFFFFFD0]  }
0x1f8: {  	s24 =	sadd.s32 $0x100, s24;
	v8 =	vld.idx.msk [tilespmem:v9+s18+$0x0], $0xffff;
	v0 =	vadd.f32 v1, v0  }
0x1f9: {  	v1 =	vld [tilespmem:s24+$0xFFFFFF90]  }
0x1fa: {  	v3 =	vld.idx.msk [tilespmem:v3+s18+$0x0], $0xffff  }
0x1fb: {  	v9 =	vld [tilespmem:s24+$0xFFFFFFA0]  }
0x1fc: {  	v7 =	vld.idx.msk [tilespmem:v7+s18+$0x0], $0xffff  }
0x1fd: {  	v11 =	vld [tilespmem:s24+$0xFFFFFFB0]  }
0x1fe: {  	v1 =	vsub.f32 v1, v8;
	v6 =	vld.idx.msk [tilespmem:v6+s18+$0x0], $0xffff  }
0x1ff: {  	v8 =	vld [tilespmem:s24+$0xFFFFFFC0]  }
0x200: {  	v1 =	vmul.f32 v1, v1;
	v3 =	vsub.f32 v9, v3;
	v2 =	vld.idx.msk [tilespmem:v2+s18+$0x0], $0xffff  }
0x201: {  	v9 =	vld [tilespmem:s24+$0xFFFFFFD0]  }
0x202: {  	v1 =	vadd.f32 v1, v0;
	v12 =	vmul.f32 v3, v3;
	v7 =	vsub.f32 v11, v7;
	v0 =	vld.idx.msk [tilespmem:v5+s18+$0x0], $0xffff  }
.Ltmp15:
0x203: {  	v3 =	vld [tilespmem:s24+$0xFFFFFFE0];
	(pc) =	sbr.rel @p0 .LBB2_32-.Ltmp15, $4  }
0x204: {  	v5 =	vadd.f32 v12, v1;
	v7 =	vmul.f32 v7, v7;
	v8 =	vsub.f32 v8, v6;
	v1 =	vld.idx.msk [tilespmem:v4+s18+$0x0], $0xffff  }
0x205: {  	v4 =	vld [tilespmem:s24+$0xFFFFFFF0]  }
0x206: {  	v6 =	vadd.f32 v7, v5;
	v7 =	vmul.f32 v8, v8;
	v8 =	vsub.f32 v9, v2;
	v2 =	vld.idx.msk [tilespmem:v10+s18+$0x0], $0xffff  }
0x207: {  	s26 =	sadd.s32 $0x80, s26;
	v5 =	vld [tilespmem:s24+$0x0]  }
0x208: {  	v6 =	vadd.f32 v7, v6;
	v61 =	vmul.f32 v8, v8;
	v0 =	vsub.f32 v3, v0;
	_ =	sdelay $0x1  }
0x209: {  	v62 =	vadd.f32 v61, v6;
	v0 =	vmul.f32 v0, v0;
	v1 =	vsub.f32 v4, v1;
	_ =	sdelay $0x1  }
0x20a: {  	v0 =	vadd.f32 v0, v62;
	v1 =	vmul.f32 v1, v1;
	v2 =	vsub.f32 v5, v2;
	_ =	sdelay $0x1  }
0x20b: {  	v0 =	vadd.f32 v1, v0;
	v63 =	vmul.f32 v2, v2;
	_ =	sdelay $0x1  }
0x20c: {  	s23 =	sadd.s32 $0x1, s23;
	v0 =	vadd.f32 v63, v0  }
0x20d: {  	p0 =	sne.s32 s23, s15  }
.Ltmp16:
0x20e: {  	[tilespmem:$0x1E700] =	vst v0;
	(pc) =	sbr.rel @p0 .LBB2_1-.Ltmp16, $4  }
0x20f: {  	[hbm4b:s14+s3] =	stream.linear.scatter [tilespmem:s22], [sflag:$0x3], $0x80, $0x38;
	[tilespmem:$0x1E780] =	vst v63  }
0x210: {  	_ =	swait.ge [sflag:s19], $0x80  }
0x211: {  	[sflag:s19] =	ssyncset.done $0x0  }
0x212: {  	[sflag:s19] =	ssyncadd.s32 $0xFFFFFF80  }
0x213: {  	_ =	sfence.sel $0x180000  }
0x214: {  	[bflag:$0x0] =	sbarrier.arrive $0xFFFF  }
0x215: {  	p0 =	sne.s32 s2, $0x0;
	_ =	strace $0x90000047  }
0x216: {  	s0 =	sadd.s32 @!p0 $0x100000, s1;
	[bflag:$0x2] =	sbarrier.arrive $0xFFFF  }
0x217: {  	[sflag:s0] =	ssyncadd.tile.s32 @!p0 $0x1;
	_ =	shalt  }
.Lfunc_end2:
_tile_overlayer_lowered:
.L_overlay_start_2:
0x218: {  	(tag) =	ssettag $0x2  }
0x219: {  	s0 =	rddreg [dreg:$0x0];
	s2 =	stileid.u32  }
0x21a: {  	s1 =	rddreg [dreg:$0x1];
	p0 =	sne.s32 s2, $0x0  }
0x21b: {  	s3 =	rddreg [dreg:$0x2];
	[bflag:$0x3] =	sbarrier.arrive $0xFFFF;
	s2 =	simm.s32 @!p0 $0x1C03  }
0x21c: {  	[timem:s3], [sflag:s2] =	dma.local @!p0 [hbm:s0], s1  }
0x21d: {  	s0 =	simm.s32 @!p0 $0x3  }
0x21e: {  	_ =	swait.ge @!p0 [sflag:s0], s1  }
0x21f: {  	s1 =	ssub.s32 @!p0 $0x0, s1;
	[sflag:s0] =	ssyncset.done @!p0 $0x0  }
0x220: {  	[sflag:s0] =	ssyncadd.s32 @!p0 s1  }
0x221: {  	[bflag:$0x3] =	sbarrier.arrive $0xFFFF  }
0x222: {  	_ =	shalt  }

</sc_bundles>
